<compile_context>
chip_gen: v7x
topology: tpu7x:2x2x1
jax: 0.10.2.dev20260603
libtpu: 0.0.44.dev20260713+nightly
codegen_flags: <defaults>
</compile_context>

<pallas_src>
import functools

import jax
import jax.numpy as jnp
from jax import lax
from jax.experimental import pallas as pl
from jax.experimental.pallas import tpu as pltpu
from jax.experimental.pallas import tpu_sc as plsc

_NC, _NS = 2, 16
_NW = _NC * _NS
_D = 64
_M = 8
_CHUNK = 160


def _pack_codebook(codebook):
    cb16 = codebook.astype(jnp.bfloat16)
    g0 = jnp.stack([cb16[:, 0:16], cb16[:, 16:32]], axis=-1)
    g1 = jnp.stack([cb16[:, 32:48], cb16[:, 48:64]], axis=-1)
    return jnp.stack([g0.reshape(-1, 32), g1.reshape(-1, 32)], axis=1)


@functools.partial(jax.jit, static_argnums=(3,))
def _run(x_flat, codes, cb_packed, total_words):
    wpt = total_words // _NW
    chunk = min(_CHUNK, wpt)
    n_chunks = wpt // chunk
    assert n_chunks % 2 == 0 and chunk % 8 == 0
    vocab = cb_packed.shape[0]
    mesh = plsc.VectorSubcoreMesh(core_axis_name="c", subcore_axis_name="s")

    @functools.partial(
        pl.kernel,
        out_type=jax.ShapeDtypeStruct((total_words, _D), jnp.float32),
        mesh=mesh,
        compiler_params=pltpu.CompilerParams(
            needs_layout_passes=False, use_tc_tiling_on_sc=False),
        scratch_types=[
            pltpu.VMEM_SHARED((vocab, 2, 32), jnp.bfloat16),
            pltpu.VMEM((wpt,), jnp.int32),
            pltpu.VMEM((chunk, _M), jnp.int32),
            pltpu.VMEM((chunk, _M), jnp.int32),
            pltpu.VMEM((chunk * _M,), jnp.int32),
            pltpu.VMEM((chunk * _M,), jnp.int32),
            pltpu.VMEM((chunk * _M, 2, 32), jnp.bfloat16),
            pltpu.VMEM((chunk * _M, 2, 32), jnp.bfloat16),
            pltpu.VMEM((chunk, _D), jnp.float32),
            pltpu.VMEM((chunk, _D), jnp.float32),
            pltpu.SemaphoreType.DMA,
            pltpu.SemaphoreType.DMA,
            pltpu.SemaphoreType.DMA,
            pltpu.SemaphoreType.DMA,
            pltpu.SemaphoreType.DMA,
            pltpu.SemaphoreType.DMA,
        ],
    )
    def run(x_hbm, codes_hbm, cbp_hbm, out_hbm, cb_sh, x_all,
            codes0, codes1, flat0, flat1, rows0, rows1, outv0, outv1,
            semc0, semc1, semr0, semr1, semo0, semo1):
        codes_b = (codes0, codes1)
        flat_b = (flat0, flat1)
        rows_b = (rows0, rows1)
        out_b = (outv0, outv1)
        semc = (semc0, semc1)
        semr = (semr0, semr1)
        semo = (semo0, semo1)

        sid = lax.axis_index("s")
        wid = sid * _NC + lax.axis_index("c")
        base = wid * wpt

        @pl.when(sid == 0)
        def _():
            pltpu.sync_copy(cbp_hbm, cb_sh)

        pltpu.sync_copy(x_hbm.at[pl.ds(base, wpt)], x_all)
        plsc.subcore_barrier()

        lane = lax.iota(jnp.int32, 16)
        sub_w = lax.shift_right_logical(lane, 3)
        sub_m = lax.bitwise_and(lane, 7)

        def codes_gather(k, b):
            return pltpu.make_async_copy(
                codes_hbm.at[x_all.at[pl.ds(k * chunk, chunk)]],
                codes_b[b], semc[b])

        def rows_gather(b):
            return pltpu.make_async_copy(
                cb_sh.at[flat_b[b]], rows_b[b], semr[b])

        def out_copy(k, b):
            return pltpu.make_async_copy(
                out_b[b], out_hbm.at[pl.ds(base + k * chunk, chunk)], semo[b])

        def s1(i, b):
            codes_gather(i, b).start()

        def s2(k, b):
            codes_gather(k, b).wait()

            def flat_body(j, c2):
                v = plsc.load_gather(codes_b[b], [2 * j + sub_w, sub_m])
                flat_b[b][pl.ds(16 * j, 16)] = v
                return c2

            lax.fori_loop(0, chunk * _M // 16, flat_body, 0)
            rows_gather(b).start()

        def s3(k, b):
            rows_gather(b).wait()

            @pl.when(k >= 2)
            def _():
                out_copy(k - 2, b).wait()

            rows = rows_b[b]
            outv = out_b[b]

            def word_body(w, c2):
                p = w * _M
                for g in range(2):
                    s0 = rows[p + 0, g, :] + rows[p + 1, g, :]
                    t0 = rows[p + 2, g, :] + rows[p + 3, g, :]
                    s1_ = rows[p + 4, g, :] + rows[p + 5, g, :]
                    t1 = rows[p + 6, g, :] + rows[p + 7, g, :]
                    acc = (s0 + t0) + (s1_ + t1)
                    a, b_ = plsc.unpack(acc, format=plsc.PackFormat.INTERLEAVED)
                    outv[w, pl.ds(32 * g, 16)] = a
                    outv[w, pl.ds(32 * g + 16, 16)] = b_
                return c2

            lax.fori_loop(0, chunk, word_body, 0)
            out_copy(k, b).start()

        def pair_body(ii, carry):
            for u in (0, 1):
                i = 2 * ii + u

                @pl.when(i < n_chunks)
                def _():
                    s1(i, u)

                @pl.when(jnp.logical_and(i >= 1, i <= n_chunks))
                def _():
                    s2(i - 1, 1 - u)

                @pl.when(jnp.logical_and(i >= 2, i <= n_chunks + 1))
                def _():
                    s3(i - 2, u)
            return carry

        lax.fori_loop(0, (n_chunks + 2) // 2, pair_body, 0)
        out_copy(n_chunks - 2, 0).wait()
        out_copy(n_chunks - 1, 1).wait()

    return run(x_flat, codes, cb_packed)


def kernel(x, codes, codebook):
    bsz, seq = x.shape
    total = bsz * seq
    x_flat = x.reshape(total).astype(jnp.int32)
    cb_packed = _pack_codebook(codebook)
    out = _run(x_flat, codes, cb_packed, total)
    return out.reshape(bsz, seq, _D)

# --- scband reference (transcript-rebuilt; emitter-appended) ---
"""Pipeline reference for scband-compressed-embedding-15556371547004 (READ-ONLY COPY).

The authoritative reference and input builder live on the scoring server;
editing this copy changes nothing except your own understanding.
"""

import jax, jax.numpy as jnp
import numpy as np


def setup_inputs(seed: int = 0) -> dict:
    key = jax.random.key(seed)
    k1, k2, k3 = jax.random.split(key, 3)
    # word indices: [batch, seq_len] into a vocab of 1,000,000
    x = jax.random.randint(k1, (4096, 50), 0, 1000000, dtype=jnp.int32)
    # codes: each word maps to M=8 indices into a codebook of 2048 basis vectors
    codes = jax.random.randint(k2, (1000000, 8), 0, 2048, dtype=jnp.int32)
    # codebook: 2048 basis vectors of dim 64 (learned parameter)
    codebook = jax.random.normal(k3, (2048, 64), dtype=jnp.float32)
    return {"x": x, "codes": codes, "codebook": codebook}


def reference(x, codes, codebook):
    # Faithful translation of CompressedEmbedding.call:
    #   codes_g = K.gather(self.codes, x)        -> [B, L, M]
    #   vectors = K.gather(self.codebook, codes) -> [B, L, M, D]
    #   embeddings = K.sum(vectors, axis=-2)     -> [B, L, D]
    x = x.astype(jnp.int32)
    word_codes = jnp.take(codes, x, axis=0)
    vectors = jnp.take(codebook, word_codes, axis=0)
    embeddings = jnp.sum(vectors, axis=-2)
    return embeddings

if __name__ == "__main__":
    import jax
    _d = setup_inputs()
    print(jax.jit(kernel)(*tuple(_d.values())))

</pallas_src>

<mosaic_0001>
#map = affine_map<(d0, d1) -> (0)>
#map1 = affine_map<(d0, d1) -> (0, 0)>
#map2 = affine_map<(d0, d1) -> (0, 0, 0)>
module attributes {stable_mosaic.version = 14 : i64} {
  func.func @run(%arg0: i32, %arg1: i32, %arg2: memref<204800xi32, #tpu.memory_space<hbm>>, %arg3: memref<1000000x8xi32, #tpu.memory_space<hbm>>, %arg4: memref<2048x2x32xbf16, #tpu.memory_space<hbm>>, %arg5: memref<204800x64xf32, #tpu.memory_space<hbm>>, %arg6: memref<2048x2x32xbf16, #tpu.memory_space<vmem_shared>>, %arg7: memref<6400xi32, #tpu.memory_space<vmem>>, %arg8: memref<160x8xi32, #tpu.memory_space<vmem>>, %arg9: memref<160x8xi32, #tpu.memory_space<vmem>>, %arg10: memref<1280xi32, #tpu.memory_space<vmem>>, %arg11: memref<1280xi32, #tpu.memory_space<vmem>>, %arg12: memref<1280x2x32xbf16, #tpu.memory_space<vmem>>, %arg13: memref<1280x2x32xbf16, #tpu.memory_space<vmem>>, %arg14: memref<160x64xf32, #tpu.memory_space<vmem>>, %arg15: memref<160x64xf32, #tpu.memory_space<vmem>>, %arg16: memref<!tpu.dma_semaphore, #tpu.memory_space<semaphore_mem>>, %arg17: memref<!tpu.dma_semaphore, #tpu.memory_space<semaphore_mem>>, %arg18: memref<!tpu.dma_semaphore, #tpu.memory_space<semaphore_mem>>, %arg19: memref<!tpu.dma_semaphore, #tpu.memory_space<semaphore_mem>>, %arg20: memref<!tpu.dma_semaphore, #tpu.memory_space<semaphore_mem>>, %arg21: memref<!tpu.dma_semaphore, #tpu.memory_space<semaphore_mem>>) attributes {dimension_semantics = [#tpu.dimension_semantics<core_parallel>, #tpu.dimension_semantics<subcore_parallel>], iteration_bounds = array<i64: 2, 16>, scalar_prefetch = 0 : i64, scratch_operands = 16 : i64, tpu.core_type = #tpu.core_type<sc_vector_subcore>, window_params = [{transform_indices = #map}, {transform_indices = #map1}, {transform_indices = #map2}, {transform_indices = #map1}]} {
    %mul3A = arith.constant 2 : i32
    %mul3A_0 = arith.muli %arg1, %mul3A : i32
    %add3A = arith.addi %mul3A_0, %arg0 : i32
    %mul3A_1 = arith.constant 6400 : i32
    %mul3A_2 = arith.muli %add3A, %mul3A_1 : i32
    %eq3A = arith.constant 0 : i32
    %eq3A_3 = arith.cmpi eq, %arg1, %eq3A : i32
    %convert_element_type3A = arith.extui %eq3A_3 : i1 to i32
    %cond3A = arith.constant 0 : i32
    %cond3A_4 = arith.cmpi ne, %convert_element_type3A, %cond3A : i32
    scf.if %cond3A_4 {
      "tpu.region"() ({
        %run_scoped3A = tpu.sem_alloc : memref<!tpu.dma_semaphore, #tpu.memory_space<semaphore_mem>>
        tpu.enqueue_dma source(%arg4 : memref<2048x2x32xbf16, #tpu.memory_space<hbm>>) target(%arg6 : memref<2048x2x32xbf16, #tpu.memory_space<vmem_shared>>) target_semaphore(%run_scoped3A : memref<!tpu.dma_semaphore, #tpu.memory_space<semaphore_mem>>)
        tpu.wait_dma2 semaphore(%run_scoped3A : memref<!tpu.dma_semaphore, #tpu.memory_space<semaphore_mem>>) src(%arg4 : memref<2048x2x32xbf16, #tpu.memory_space<hbm>>) dst(%arg6 : memref<2048x2x32xbf16, #tpu.memory_space<vmem_shared>>)
        tpu.yield
      }) : () -> ()
    } else {
    }
    "tpu.region"() ({
      %run_scoped3A = tpu.sem_alloc : memref<!tpu.dma_semaphore, #tpu.memory_space<semaphore_mem>>
      %dma_start3A = tpu.memref_slice %arg2[%mul3A_2] : memref<204800xi32, #tpu.memory_space<hbm>> -> memref<6400xi32, #tpu.memory_space<hbm>>
      %dma_start3A_25 = tpu.memref_slice %arg2[%mul3A_2] : memref<204800xi32, #tpu.memory_space<hbm>> -> memref<6400xi32, #tpu.memory_space<hbm>>
      tpu.enqueue_dma source(%dma_start3A_25 : memref<6400xi32, #tpu.memory_space<hbm>>) target(%arg7 : memref<6400xi32, #tpu.memory_space<vmem>>) target_semaphore(%run_scoped3A : memref<!tpu.dma_semaphore, #tpu.memory_space<semaphore_mem>>)
      %dma_wait3A_26 = tpu.memref_slice %arg2[%mul3A_2] : memref<204800xi32, #tpu.memory_space<hbm>> -> memref<6400xi32, #tpu.memory_space<hbm>>
      %dma_wait3A_27 = tpu.memref_slice %arg2[%mul3A_2] : memref<204800xi32, #tpu.memory_space<hbm>> -> memref<6400xi32, #tpu.memory_space<hbm>>
      tpu.wait_dma2 semaphore(%run_scoped3A : memref<!tpu.dma_semaphore, #tpu.memory_space<semaphore_mem>>) src(%dma_wait3A_27 : memref<6400xi32, #tpu.memory_space<hbm>>) dst(%arg7 : memref<6400xi32, #tpu.memory_space<vmem>>)
      tpu.yield
    }) : () -> ()
    %barrier3A = arith.constant 0 : index
    tpu.barrier barrier_id(%barrier3A)
    %iota3A = tpu.iota {dimensions = array<i32: 0>} : vector<16xi32>
    %shift_right_logical3A = arith.constant 3 : i32
    %shift_right_logical3A_5 = vector.broadcast %shift_right_logical3A : i32 to vector<16xi32>
    %shift_right_logical3A_6 = arith.shrui %iota3A, %shift_right_logical3A_5 : vector<16xi32>
    %and3A = arith.constant 7 : i32
    %and3A_7 = vector.broadcast %and3A : i32 to vector<16xi32>
    %and3A_8 = arith.andi %iota3A, %and3A_7 : vector<16xi32>
    %scan3A = arith.constant 0 : i32
    %scan3A_9 = arith.constant 0 : i32
    %scan3A_10 = arith.constant 21 : i32
    %scan3A_11 = arith.addi %scan3A_9, %scan3A_10 : i32
    %scan3A_12 = arith.constant 1 : i32
    scf.for %scan3A_25 = %scan3A_9 to %scan3A_11 step %scan3A_12  : i32 {
      %mul3A_26 = arith.constant 2 : i32
      %mul3A_27 = arith.muli %mul3A_26, %scan3A_25 : i32
      %add3A_28 = arith.constant 0 : i32
      %add3A_29 = arith.addi %mul3A_27, %add3A_28 : i32
      %lt3A = arith.constant 40 : i32
      %lt3A_30 = arith.cmpi slt, %add3A_29, %lt3A : i32
      %convert_element_type3A_31 = arith.extui %lt3A_30 : i1 to i32
      %cond3A_32 = arith.constant 0 : i32
      %cond3A_33 = arith.cmpi ne, %convert_element_type3A_31, %cond3A_32 : i32
      scf.if %cond3A_33 {
        %mul3A_73 = arith.constant 160 : i32
        %mul3A_74 = arith.muli %add3A_29, %mul3A_73 : i32
        %dma_start3A = tpu.memref_slice %arg7[%mul3A_74] : memref<6400xi32, #tpu.memory_space<vmem>> -> memref<160xi32, #tpu.memory_space<vmem>>
        %dma_start3A_75 = arith.constant 0 : i32
        %dma_start3A_76 = arith.constant 0 : i32
        %dma_start3A_77 = tpu.memref_slice %arg3[%dma_start3A_75, %dma_start3A_76] : memref<1000000x8xi32, #tpu.memory_space<hbm>> -> memref<1000000x8xi32, #tpu.memory_space<hbm>>
        tpu.enqueue_indirect_dma source(%dma_start3A_77 : memref<1000000x8xi32, #tpu.memory_space<hbm>>) target(%arg8 : memref<160x8xi32, #tpu.memory_space<vmem>>) offsets(%dma_start3A : memref<160xi32, #tpu.memory_space<vmem>>) semaphore(%arg16 : memref<!tpu.dma_semaphore, #tpu.memory_space<semaphore_mem>>)
      } else {
      }
      %ge3A = arith.constant 1 : i32
      %ge3A_34 = arith.cmpi sge, %add3A_29, %ge3A : i32
      %le3A = arith.constant 40 : i32
      %le3A_35 = arith.cmpi sle, %add3A_29, %le3A : i32
      %and3A_36 = arith.andi %ge3A_34, %le3A_35 : i1
      %convert_element_type3A_37 = arith.extui %and3A_36 : i1 to i32
      %cond3A_38 = arith.constant 0 : i32
      %cond3A_39 = arith.cmpi ne, %convert_element_type3A_37, %cond3A_38 : i32
      scf.if %cond3A_39 {
        %sub3A = arith.constant 1 : i32
        %sub3A_73 = arith.subi %add3A_29, %sub3A : i32
        %mul3A_74 = arith.constant 160 : i32
        %mul3A_75 = arith.muli %sub3A_73, %mul3A_74 : i32
        %dma_wait3A_76 = tpu.memref_slice %arg7[%mul3A_75] : memref<6400xi32, #tpu.memory_space<vmem>> -> memref<160xi32, #tpu.memory_space<vmem>>
        %dma_wait3A_77 = arith.constant 0 : i32
        %dma_wait3A_78 = arith.constant 0 : i32
        %dma_wait3A_79 = tpu.memref_slice %arg3[%dma_wait3A_77, %dma_wait3A_78] : memref<1000000x8xi32, #tpu.memory_space<hbm>> -> memref<1000000x8xi32, #tpu.memory_space<hbm>>
        tpu.wait_indirect_dma semaphore(%arg17 : memref<!tpu.dma_semaphore, #tpu.memory_space<semaphore_mem>>) src(%dma_wait3A_79 : memref<1000000x8xi32, #tpu.memory_space<hbm>>) dst(%arg9 : memref<160x8xi32, #tpu.memory_space<vmem>>)
        %scan3A_80 = arith.constant 0 : i32
        %scan3A_81 = arith.constant 0 : i32
        %scan3A_82 = arith.constant 80 : i32
        %scan3A_83 = arith.addi %scan3A_81, %scan3A_82 : i32
        %scan3A_84 = arith.constant 1 : i32
        scf.for %scan3A_89 = %scan3A_81 to %scan3A_83 step %scan3A_84  : i32 {
          %mul3A_90 = arith.constant 2 : i32
          %mul3A_91 = arith.muli %mul3A_90, %scan3A_89 : i32
          %add3A_92 = vector.broadcast %mul3A_91 : i32 to vector<16xi32>
          %add3A_93 = arith.addi %add3A_92, %shift_right_logical3A_6 : vector<16xi32>
          %gather3A = tpu.vector_load_idx %arg9[%add3A_93, %and3A_8] : memref<160x8xi32, #tpu.memory_space<vmem>>[vector<16xi32>, vector<16xi32>], vector<16xi32>,
          %mul3A_94 = arith.constant 16 : i32
          %mul3A_95 = arith.muli %mul3A_94, %scan3A_89 : i32
          %swap3A = arith.index_cast %mul3A_95 : i32 to index
          %swap3A_96 = tpu.vector_load %arg11[%swap3A] {strides = array<i32>} : memref<1280xi32, #tpu.memory_space<vmem>>, vector<16xi32>,
          tpu.vector_store %arg11[%swap3A], %gather3A {strides = array<i32>} : memref<1280xi32, #tpu.memory_space<vmem>>, vector<16xi32>,
        }
        %scan3A_85 = arith.constant 80 : i32
        %dma_start3A = arith.constant 0 : i32
        %dma_start3A_86 = arith.constant 0 : i32
        %dma_start3A_87 = arith.constant 0 : i32
        %dma_start3A_88 = tpu.memref_slice %arg6[%dma_start3A, %dma_start3A_86, %dma_start3A_87] : memref<2048x2x32xbf16, #tpu.memory_space<vmem_shared>> -> memref<2048x2x32xbf16, #tpu.memory_space<vmem_shared>>
        tpu.enqueue_indirect_dma source(%dma_start3A_88 : memref<2048x2x32xbf16, #tpu.memory_space<vmem_shared>>) target(%arg13 : memref<1280x2x32xbf16, #tpu.memory_space<vmem>>) offsets(%arg11 : memref<1280xi32, #tpu.memory_space<vmem>>) semaphore(%arg19 : memref<!tpu.dma_semaphore, #tpu.memory_space<semaphore_mem>>)
      } else {
      }
      %ge3A_40 = arith.constant 2 : i32
      %ge3A_41 = arith.cmpi sge, %add3A_29, %ge3A_40 : i32
      %le3A_42 = arith.constant 41 : i32
      %le3A_43 = arith.cmpi sle, %add3A_29, %le3A_42 : i32
      %and3A_44 = arith.andi %ge3A_41, %le3A_43 : i1
      %convert_element_type3A_45 = arith.extui %and3A_44 : i1 to i32
      %cond3A_46 = arith.constant 0 : i32
      %cond3A_47 = arith.cmpi ne, %convert_element_type3A_45, %cond3A_46 : i32
      scf.if %cond3A_47 {
        %sub3A = arith.constant 2 : i32
        %sub3A_73 = arith.subi %add3A_29, %sub3A : i32
        %dma_wait3A_74 = arith.constant 0 : i32
        %dma_wait3A_75 = arith.constant 0 : i32
        %dma_wait3A_76 = arith.constant 0 : i32
        %dma_wait3A_77 = tpu.memref_slice %arg6[%dma_wait3A_74, %dma_wait3A_75, %dma_wait3A_76] : memref<2048x2x32xbf16, #tpu.memory_space<vmem_shared>> -> memref<2048x2x32xbf16, #tpu.memory_space<vmem_shared>>
        tpu.wait_indirect_dma semaphore(%arg18 : memref<!tpu.dma_semaphore, #tpu.memory_space<semaphore_mem>>) src(%dma_wait3A_77 : memref<2048x2x32xbf16, #tpu.memory_space<vmem_shared>>) dst(%arg12 : memref<1280x2x32xbf16, #tpu.memory_space<vmem>>)
        %ge3A_78 = arith.constant 2 : i32
        %ge3A_79 = arith.cmpi sge, %sub3A_73, %ge3A_78 : i32
        %convert_element_type3A_80 = arith.extui %ge3A_79 : i1 to i32
        %cond3A_81 = arith.constant 0 : i32
        %cond3A_82 = arith.cmpi ne, %convert_element_type3A_80, %cond3A_81 : i32
        scf.if %cond3A_82 {
          %sub3A_95 = arith.constant 2 : i32
          %sub3A_96 = arith.subi %sub3A_73, %sub3A_95 : i32
          %mul3A_97 = arith.constant 160 : i32
          %mul3A_98 = arith.muli %sub3A_96, %mul3A_97 : i32
          %add3A_99 = arith.addi %mul3A_2, %mul3A_98 : i32
          %dma_wait3A_100 = arith.constant 0 : i32
          %dma_wait3A_101 = tpu.memref_slice %arg5[%add3A_99, %dma_wait3A_100] : memref<204800x64xf32, #tpu.memory_space<hbm>> -> memref<160x64xf32, #tpu.memory_space<hbm>>
          %dma_wait3A_102 = arith.constant 0 : i32
          %dma_wait3A_103 = tpu.memref_slice %arg5[%add3A_99, %dma_wait3A_102] : memref<204800x64xf32, #tpu.memory_space<hbm>> -> memref<160x64xf32, #tpu.memory_space<hbm>>
          tpu.wait_dma2 semaphore(%arg20 : memref<!tpu.dma_semaphore, #tpu.memory_space<semaphore_mem>>) src(%arg14 : memref<160x64xf32, #tpu.memory_space<vmem>>) dst(%dma_wait3A_103 : memref<160x64xf32, #tpu.memory_space<hbm>>)
        } else {
        }
        %scan3A_83 = arith.constant 0 : i32
        %scan3A_84 = arith.constant 0 : i32
        %scan3A_85 = arith.constant 160 : i32
        %scan3A_86 = arith.addi %scan3A_84, %scan3A_85 : i32
        %scan3A_87 = arith.constant 1 : i32
        scf.for %scan3A_95 = %scan3A_84 to %scan3A_86 step %scan3A_87  : i32 {
          %mul3A_96 = arith.constant 8 : i32
          %mul3A_97 = arith.muli %scan3A_95, %mul3A_96 : i32
          %add3A_98 = arith.constant 0 : i32
          %add3A_99 = arith.addi %mul3A_97, %add3A_98 : i32
          %get3A = arith.constant 0 : i32
          %get3A_100 = arith.index_cast %add3A_99 : i32 to index
          %get3A_101 = arith.index_cast %get3A : i32 to index
          %get3A_102 = arith.constant 0 : index
          %get3A_103 = tpu.vector_load %arg12[%get3A_100, %get3A_101, %get3A_102] {strides = array<i32>} : memref<1280x2x32xbf16, #tpu.memory_space<vmem>>, vector<32xbf16>,
          %add3A_104 = arith.constant 1 : i32
          %add3A_105 = arith.addi %mul3A_97, %add3A_104 : i32
          %get3A_106 = arith.constant 0 : i32
          %get3A_107 = arith.index_cast %add3A_105 : i32 to index
          %get3A_108 = arith.index_cast %get3A_106 : i32 to index
          %get3A_109 = arith.constant 0 : index
          %get3A_110 = tpu.vector_load %arg12[%get3A_107, %get3A_108, %get3A_109] {strides = array<i32>} : memref<1280x2x32xbf16, #tpu.memory_space<vmem>>, vector<32xbf16>,
          %add3A_111 = arith.addf %get3A_103, %get3A_110 : vector<32xbf16>
          %add3A_112 = arith.constant 2 : i32
          %add3A_113 = arith.addi %mul3A_97, %add3A_112 : i32
          %get3A_114 = arith.constant 0 : i32
          %get3A_115 = arith.index_cast %add3A_113 : i32 to index
          %get3A_116 = arith.index_cast %get3A_114 : i32 to index
          %get3A_117 = arith.constant 0 : index
          %get3A_118 = tpu.vector_load %arg12[%get3A_115, %get3A_116, %get3A_117] {strides = array<i32>} : memref<1280x2x32xbf16, #tpu.memory_space<vmem>>, vector<32xbf16>,
          %add3A_119 = arith.constant 3 : i32
          %add3A_120 = arith.addi %mul3A_97, %add3A_119 : i32
          %get3A_121 = arith.constant 0 : i32
          %get3A_122 = arith.index_cast %add3A_120 : i32 to index
          %get3A_123 = arith.index_cast %get3A_121 : i32 to index
          %get3A_124 = arith.constant 0 : index
          %get3A_125 = tpu.vector_load %arg12[%get3A_122, %get3A_123, %get3A_124] {strides = array<i32>} : memref<1280x2x32xbf16, #tpu.memory_space<vmem>>, vector<32xbf16>,
          %add3A_126 = arith.addf %get3A_118, %get3A_125 : vector<32xbf16>
          %add3A_127 = arith.constant 4 : i32
          %add3A_128 = arith.addi %mul3A_97, %add3A_127 : i32
          %get3A_129 = arith.constant 0 : i32
          %get3A_130 = arith.index_cast %add3A_128 : i32 to index
          %get3A_131 = arith.index_cast %get3A_129 : i32 to index
          %get3A_132 = arith.constant 0 : index
          %get3A_133 = tpu.vector_load %arg12[%get3A_130, %get3A_131, %get3A_132] {strides = array<i32>} : memref<1280x2x32xbf16, #tpu.memory_space<vmem>>, vector<32xbf16>,
          %add3A_134 = arith.constant 5 : i32
          %add3A_135 = arith.addi %mul3A_97, %add3A_134 : i32
          %get3A_136 = arith.constant 0 : i32
          %get3A_137 = arith.index_cast %add3A_135 : i32 to index
          %get3A_138 = arith.index_cast %get3A_136 : i32 to index
          %get3A_139 = arith.constant 0 : index
          %get3A_140 = tpu.vector_load %arg12[%get3A_137, %get3A_138, %get3A_139] {strides = array<i32>} : memref<1280x2x32xbf16, #tpu.memory_space<vmem>>, vector<32xbf16>,
          %add3A_141 = arith.addf %get3A_133, %get3A_140 : vector<32xbf16>
          %add3A_142 = arith.constant 6 : i32
          %add3A_143 = arith.addi %mul3A_97, %add3A_142 : i32
          %get3A_144 = arith.constant 0 : i32
          %get3A_145 = arith.index_cast %add3A_143 : i32 to index
          %get3A_146 = arith.index_cast %get3A_144 : i32 to index
          %get3A_147 = arith.constant 0 : index
          %get3A_148 = tpu.vector_load %arg12[%get3A_145, %get3A_146, %get3A_147] {strides = array<i32>} : memref<1280x2x32xbf16, #tpu.memory_space<vmem>>, vector<32xbf16>,
          %add3A_149 = arith.constant 7 : i32
          %add3A_150 = arith.addi %mul3A_97, %add3A_149 : i32
          %get3A_151 = arith.constant 0 : i32
          %get3A_152 = arith.index_cast %add3A_150 : i32 to index
          %get3A_153 = arith.index_cast %get3A_151 : i32 to index
          %get3A_154 = arith.constant 0 : index
          %get3A_155 = tpu.vector_load %arg12[%get3A_152, %get3A_153, %get3A_154] {strides = array<i32>} : memref<1280x2x32xbf16, #tpu.memory_space<vmem>>, vector<32xbf16>,
          %add3A_156 = arith.addf %get3A_148, %get3A_155 : vector<32xbf16>
          %add3A_157 = arith.addf %add3A_111, %add3A_126 : vector<32xbf16>
          %add3A_158 = arith.addf %add3A_141, %add3A_156 : vector<32xbf16>
          %add3A_159 = arith.addf %add3A_157, %add3A_158 : vector<32xbf16>
          %unpack3A = tpu.unpack_subelements %add3A_159, 0 {pack_format = #tpu.pack_format<interleaved>} : vector<32xbf16> -> vector<16xf32>
          %unpack3A_160 = tpu.unpack_subelements %add3A_159, 1 {pack_format = #tpu.pack_format<interleaved>} : vector<32xbf16> -> vector<16xf32>
          %swap3A = arith.index_cast %scan3A_95 : i32 to index
          %swap3A_161 = arith.constant 0 : index
          %swap3A_162 = tpu.vector_load %arg14[%swap3A, %swap3A_161] {strides = array<i32>} : memref<160x64xf32, #tpu.memory_space<vmem>>, vector<16xf32>,
          tpu.vector_store %arg14[%swap3A, %swap3A_161], %unpack3A {strides = array<i32>} : memref<160x64xf32, #tpu.memory_space<vmem>>, vector<16xf32>,
          %swap3A_163 = arith.index_cast %scan3A_95 : i32 to index
          %swap3A_164 = arith.constant 16 : index
          %swap3A_165 = tpu.vector_load %arg14[%swap3A_163, %swap3A_164] {strides = array<i32>} : memref<160x64xf32, #tpu.memory_space<vmem>>, vector<16xf32>,
          tpu.vector_store %arg14[%swap3A_163, %swap3A_164], %unpack3A_160 {strides = array<i32>} : memref<160x64xf32, #tpu.memory_space<vmem>>, vector<16xf32>,
          %add3A_166 = arith.constant 0 : i32
          %add3A_167 = arith.addi %mul3A_97, %add3A_166 : i32
          %get3A_168 = arith.constant 1 : i32
          %get3A_169 = arith.index_cast %add3A_167 : i32 to index
          %get3A_170 = arith.index_cast %get3A_168 : i32 to index
          %get3A_171 = arith.constant 0 : index
          %get3A_172 = tpu.vector_load %arg12[%get3A_169, %get3A_170, %get3A_171] {strides = array<i32>} : memref<1280x2x32xbf16, #tpu.memory_space<vmem>>, vector<32xbf16>,
          %add3A_173 = arith.constant 1 : i32
          %add3A_174 = arith.addi %mul3A_97, %add3A_173 : i32
          %get3A_175 = arith.constant 1 : i32
          %get3A_176 = arith.index_cast %add3A_174 : i32 to index
          %get3A_177 = arith.index_cast %get3A_175 : i32 to index
          %get3A_178 = arith.constant 0 : index
          %get3A_179 = tpu.vector_load %arg12[%get3A_176, %get3A_177, %get3A_178] {strides = array<i32>} : memref<1280x2x32xbf16, #tpu.memory_space<vmem>>, vector<32xbf16>,
          %add3A_180 = arith.addf %get3A_172, %get3A_179 : vector<32xbf16>
          %add3A_181 = arith.constant 2 : i32
          %add3A_182 = arith.addi %mul3A_97, %add3A_181 : i32
          %get3A_183 = arith.constant 1 : i32
          %get3A_184 = arith.index_cast %add3A_182 : i32 to index
          %get3A_185 = arith.index_cast %get3A_183 : i32 to index
          %get3A_186 = arith.constant 0 : index
          %get3A_187 = tpu.vector_load %arg12[%get3A_184, %get3A_185, %get3A_186] {strides = array<i32>} : memref<1280x2x32xbf16, #tpu.memory_space<vmem>>, vector<32xbf16>,
          %add3A_188 = arith.constant 3 : i32
          %add3A_189 = arith.addi %mul3A_97, %add3A_188 : i32
          %get3A_190 = arith.constant 1 : i32
          %get3A_191 = arith.index_cast %add3A_189 : i32 to index
          %get3A_192 = arith.index_cast %get3A_190 : i32 to index
          %get3A_193 = arith.constant 0 : index
          %get3A_194 = tpu.vector_load %arg12[%get3A_191, %get3A_192, %get3A_193] {strides = array<i32>} : memref<1280x2x32xbf16, #tpu.memory_space<vmem>>, vector<32xbf16>,
          %add3A_195 = arith.addf %get3A_187, %get3A_194 : vector<32xbf16>
          %add3A_196 = arith.constant 4 : i32
          %add3A_197 = arith.addi %mul3A_97, %add3A_196 : i32
          %get3A_198 = arith.constant 1 : i32
          %get3A_199 = arith.index_cast %add3A_197 : i32 to index
          %get3A_200 = arith.index_cast %get3A_198 : i32 to index
          %get3A_201 = arith.constant 0 : index
          %get3A_202 = tpu.vector_load %arg12[%get3A_199, %get3A_200, %get3A_201] {strides = array<i32>} : memref<1280x2x32xbf16, #tpu.memory_space<vmem>>, vector<32xbf16>,
          %add3A_203 = arith.constant 5 : i32
          %add3A_204 = arith.addi %mul3A_97, %add3A_203 : i32
          %get3A_205 = arith.constant 1 : i32
          %get3A_206 = arith.index_cast %add3A_204 : i32 to index
          %get3A_207 = arith.index_cast %get3A_205 : i32 to index
          %get3A_208 = arith.constant 0 : index
          %get3A_209 = tpu.vector_load %arg12[%get3A_206, %get3A_207, %get3A_208] {strides = array<i32>} : memref<1280x2x32xbf16, #tpu.memory_space<vmem>>, vector<32xbf16>,
          %add3A_210 = arith.addf %get3A_202, %get3A_209 : vector<32xbf16>
          %add3A_211 = arith.constant 6 : i32
          %add3A_212 = arith.addi %mul3A_97, %add3A_211 : i32
          %get3A_213 = arith.constant 1 : i32
          %get3A_214 = arith.index_cast %add3A_212 : i32 to index
          %get3A_215 = arith.index_cast %get3A_213 : i32 to index
          %get3A_216 = arith.constant 0 : index
          %get3A_217 = tpu.vector_load %arg12[%get3A_214, %get3A_215, %get3A_216] {strides = array<i32>} : memref<1280x2x32xbf16, #tpu.memory_space<vmem>>, vector<32xbf16>,
          %add3A_218 = arith.constant 7 : i32
          %add3A_219 = arith.addi %mul3A_97, %add3A_218 : i32
          %get3A_220 = arith.constant 1 : i32
          %get3A_221 = arith.index_cast %add3A_219 : i32 to index
          %get3A_222 = arith.index_cast %get3A_220 : i32 to index
          %get3A_223 = arith.constant 0 : index
          %get3A_224 = tpu.vector_load %arg12[%get3A_221, %get3A_222, %get3A_223] {strides = array<i32>} : memref<1280x2x32xbf16, #tpu.memory_space<vmem>>, vector<32xbf16>,
          %add3A_225 = arith.addf %get3A_217, %get3A_224 : vector<32xbf16>
          %add3A_226 = arith.addf %add3A_180, %add3A_195 : vector<32xbf16>
          %add3A_227 = arith.addf %add3A_210, %add3A_225 : vector<32xbf16>
          %add3A_228 = arith.addf %add3A_226, %add3A_227 : vector<32xbf16>
          %unpack3A_229 = tpu.unpack_subelements %add3A_228, 0 {pack_format = #tpu.pack_format<interleaved>} : vector<32xbf16> -> vector<16xf32>
          %unpack3A_230 = tpu.unpack_subelements %add3A_228, 1 {pack_format = #tpu.pack_format<interleaved>} : vector<32xbf16> -> vector<16xf32>
          %swap3A_231 = arith.index_cast %scan3A_95 : i32 to index
          %swap3A_232 = arith.constant 32 : index
          %swap3A_233 = tpu.vector_load %arg14[%swap3A_231, %swap3A_232] {strides = array<i32>} : memref<160x64xf32, #tpu.memory_space<vmem>>, vector<16xf32>,
          tpu.vector_store %arg14[%swap3A_231, %swap3A_232], %unpack3A_229 {strides = array<i32>} : memref<160x64xf32, #tpu.memory_space<vmem>>, vector<16xf32>,
          %swap3A_234 = arith.index_cast %scan3A_95 : i32 to index
          %swap3A_235 = arith.constant 48 : index
          %swap3A_236 = tpu.vector_load %arg14[%swap3A_234, %swap3A_235] {strides = array<i32>} : memref<160x64xf32, #tpu.memory_space<vmem>>, vector<16xf32>,
          tpu.vector_store %arg14[%swap3A_234, %swap3A_235], %unpack3A_230 {strides = array<i32>} : memref<160x64xf32, #tpu.memory_space<vmem>>, vector<16xf32>,
        }
        %scan3A_88 = arith.constant 160 : i32
        %mul3A_89 = arith.constant 160 : i32
        %mul3A_90 = arith.muli %sub3A_73, %mul3A_89 : i32
        %add3A_91 = arith.addi %mul3A_2, %mul3A_90 : i32
        %dma_start3A = arith.constant 0 : i32
        %dma_start3A_92 = tpu.memref_slice %arg5[%add3A_91, %dma_start3A] : memref<204800x64xf32, #tpu.memory_space<hbm>> -> memref<160x64xf32, #tpu.memory_space<hbm>>
        %dma_start3A_93 = arith.constant 0 : i32
        %dma_start3A_94 = tpu.memref_slice %arg5[%add3A_91, %dma_start3A_93] : memref<204800x64xf32, #tpu.memory_space<hbm>> -> memref<160x64xf32, #tpu.memory_space<hbm>>
        tpu.enqueue_dma source(%arg14 : memref<160x64xf32, #tpu.memory_space<vmem>>) target(%dma_start3A_94 : memref<160x64xf32, #tpu.memory_space<hbm>>) target_semaphore(%arg20 : memref<!tpu.dma_semaphore, #tpu.memory_space<semaphore_mem>>)
      } else {
      }
      %mul3A_48 = arith.constant 2 : i32
      %mul3A_49 = arith.muli %mul3A_48, %scan3A_25 : i32
      %add3A_50 = arith.constant 1 : i32
      %add3A_51 = arith.addi %mul3A_49, %add3A_50 : i32
      %lt3A_52 = arith.constant 40 : i32
      %lt3A_53 = arith.cmpi slt, %add3A_51, %lt3A_52 : i32
      %convert_element_type3A_54 = arith.extui %lt3A_53 : i1 to i32
      %cond3A_55 = arith.constant 0 : i32
      %cond3A_56 = arith.cmpi ne, %convert_element_type3A_54, %cond3A_55 : i32
      scf.if %cond3A_56 {
        %mul3A_73 = arith.constant 160 : i32
        %mul3A_74 = arith.muli %add3A_51, %mul3A_73 : i32
        %dma_start3A = tpu.memref_slice %arg7[%mul3A_74] : memref<6400xi32, #tpu.memory_space<vmem>> -> memref<160xi32, #tpu.memory_space<vmem>>
        %dma_start3A_75 = arith.constant 0 : i32
        %dma_start3A_76 = arith.constant 0 : i32
        %dma_start3A_77 = tpu.memref_slice %arg3[%dma_start3A_75, %dma_start3A_76] : memref<1000000x8xi32, #tpu.memory_space<hbm>> -> memref<1000000x8xi32, #tpu.memory_space<hbm>>
        tpu.enqueue_indirect_dma source(%dma_start3A_77 : memref<1000000x8xi32, #tpu.memory_space<hbm>>) target(%arg9 : memref<160x8xi32, #tpu.memory_space<vmem>>) offsets(%dma_start3A : memref<160xi32, #tpu.memory_space<vmem>>) semaphore(%arg17 : memref<!tpu.dma_semaphore, #tpu.memory_space<semaphore_mem>>)
      } else {
      }
      %ge3A_57 = arith.constant 1 : i32
      %ge3A_58 = arith.cmpi sge, %add3A_51, %ge3A_57 : i32
      %le3A_59 = arith.constant 40 : i32
      %le3A_60 = arith.cmpi sle, %add3A_51, %le3A_59 : i32
      %and3A_61 = arith.andi %ge3A_58, %le3A_60 : i1
      %convert_element_type3A_62 = arith.extui %and3A_61 : i1 to i32
      %cond3A_63 = arith.constant 0 : i32
      %cond3A_64 = arith.cmpi ne, %convert_element_type3A_62, %cond3A_63 : i32
      scf.if %cond3A_64 {
        %sub3A = arith.constant 1 : i32
        %sub3A_73 = arith.subi %add3A_51, %sub3A : i32
        %mul3A_74 = arith.constant 160 : i32
        %mul3A_75 = arith.muli %sub3A_73, %mul3A_74 : i32
        %dma_wait3A_76 = tpu.memref_slice %arg7[%mul3A_75] : memref<6400xi32, #tpu.memory_space<vmem>> -> memref<160xi32, #tpu.memory_space<vmem>>
        %dma_wait3A_77 = arith.constant 0 : i32
        %dma_wait3A_78 = arith.constant 0 : i32
        %dma_wait3A_79 = tpu.memref_slice %arg3[%dma_wait3A_77, %dma_wait3A_78] : memref<1000000x8xi32, #tpu.memory_space<hbm>> -> memref<1000000x8xi32, #tpu.memory_space<hbm>>
        tpu.wait_indirect_dma semaphore(%arg16 : memref<!tpu.dma_semaphore, #tpu.memory_space<semaphore_mem>>) src(%dma_wait3A_79 : memref<1000000x8xi32, #tpu.memory_space<hbm>>) dst(%arg8 : memref<160x8xi32, #tpu.memory_space<vmem>>)
        %scan3A_80 = arith.constant 0 : i32
        %scan3A_81 = arith.constant 0 : i32
        %scan3A_82 = arith.constant 80 : i32
        %scan3A_83 = arith.addi %scan3A_81, %scan3A_82 : i32
        %scan3A_84 = arith.constant 1 : i32
        scf.for %scan3A_89 = %scan3A_81 to %scan3A_83 step %scan3A_84  : i32 {
          %mul3A_90 = arith.constant 2 : i32
          %mul3A_91 = arith.muli %mul3A_90, %scan3A_89 : i32
          %add3A_92 = vector.broadcast %mul3A_91 : i32 to vector<16xi32>
          %add3A_93 = arith.addi %add3A_92, %shift_right_logical3A_6 : vector<16xi32>
          %gather3A = tpu.vector_load_idx %arg8[%add3A_93, %and3A_8] : memref<160x8xi32, #tpu.memory_space<vmem>>[vector<16xi32>, vector<16xi32>], vector<16xi32>,
          %mul3A_94 = arith.constant 16 : i32
          %mul3A_95 = arith.muli %mul3A_94, %scan3A_89 : i32
          %swap3A = arith.index_cast %mul3A_95 : i32 to index
          %swap3A_96 = tpu.vector_load %arg10[%swap3A] {strides = array<i32>} : memref<1280xi32, #tpu.memory_space<vmem>>, vector<16xi32>,
          tpu.vector_store %arg10[%swap3A], %gather3A {strides = array<i32>} : memref<1280xi32, #tpu.memory_space<vmem>>, vector<16xi32>,
        }
        %scan3A_85 = arith.constant 80 : i32
        %dma_start3A = arith.constant 0 : i32
        %dma_start3A_86 = arith.constant 0 : i32
        %dma_start3A_87 = arith.constant 0 : i32
        %dma_start3A_88 = tpu.memref_slice %arg6[%dma_start3A, %dma_start3A_86, %dma_start3A_87] : memref<2048x2x32xbf16, #tpu.memory_space<vmem_shared>> -> memref<2048x2x32xbf16, #tpu.memory_space<vmem_shared>>
        tpu.enqueue_indirect_dma source(%dma_start3A_88 : memref<2048x2x32xbf16, #tpu.memory_space<vmem_shared>>) target(%arg12 : memref<1280x2x32xbf16, #tpu.memory_space<vmem>>) offsets(%arg10 : memref<1280xi32, #tpu.memory_space<vmem>>) semaphore(%arg18 : memref<!tpu.dma_semaphore, #tpu.memory_space<semaphore_mem>>)
      } else {
      }
      %ge3A_65 = arith.constant 2 : i32
      %ge3A_66 = arith.cmpi sge, %add3A_51, %ge3A_65 : i32
      %le3A_67 = arith.constant 41 : i32
      %le3A_68 = arith.cmpi sle, %add3A_51, %le3A_67 : i32
      %and3A_69 = arith.andi %ge3A_66, %le3A_68 : i1
      %convert_element_type3A_70 = arith.extui %and3A_69 : i1 to i32
      %cond3A_71 = arith.constant 0 : i32
      %cond3A_72 = arith.cmpi ne, %convert_element_type3A_70, %cond3A_71 : i32
      scf.if %cond3A_72 {
        %sub3A = arith.constant 2 : i32
        %sub3A_73 = arith.subi %add3A_51, %sub3A : i32
        %dma_wait3A_74 = arith.constant 0 : i32
        %dma_wait3A_75 = arith.constant 0 : i32
        %dma_wait3A_76 = arith.constant 0 : i32
        %dma_wait3A_77 = tpu.memref_slice %arg6[%dma_wait3A_74, %dma_wait3A_75, %dma_wait3A_76] : memref<2048x2x32xbf16, #tpu.memory_space<vmem_shared>> -> memref<2048x2x32xbf16, #tpu.memory_space<vmem_shared>>
        tpu.wait_indirect_dma semaphore(%arg19 : memref<!tpu.dma_semaphore, #tpu.memory_space<semaphore_mem>>) src(%dma_wait3A_77 : memref<2048x2x32xbf16, #tpu.memory_space<vmem_shared>>) dst(%arg13 : memref<1280x2x32xbf16, #tpu.memory_space<vmem>>)
        %ge3A_78 = arith.constant 2 : i32
        %ge3A_79 = arith.cmpi sge, %sub3A_73, %ge3A_78 : i32
        %convert_element_type3A_80 = arith.extui %ge3A_79 : i1 to i32
        %cond3A_81 = arith.constant 0 : i32
        %cond3A_82 = arith.cmpi ne, %convert_element_type3A_80, %cond3A_81 : i32
        scf.if %cond3A_82 {
          %sub3A_95 = arith.constant 2 : i32
          %sub3A_96 = arith.subi %sub3A_73, %sub3A_95 : i32
          %mul3A_97 = arith.constant 160 : i32
          %mul3A_98 = arith.muli %sub3A_96, %mul3A_97 : i32
          %add3A_99 = arith.addi %mul3A_2, %mul3A_98 : i32
          %dma_wait3A_100 = arith.constant 0 : i32
          %dma_wait3A_101 = tpu.memref_slice %arg5[%add3A_99, %dma_wait3A_100] : memref<204800x64xf32, #tpu.memory_space<hbm>> -> memref<160x64xf32, #tpu.memory_space<hbm>>
          %dma_wait3A_102 = arith.constant 0 : i32
          %dma_wait3A_103 = tpu.memref_slice %arg5[%add3A_99, %dma_wait3A_102] : memref<204800x64xf32, #tpu.memory_space<hbm>> -> memref<160x64xf32, #tpu.memory_space<hbm>>
          tpu.wait_dma2 semaphore(%arg21 : memref<!tpu.dma_semaphore, #tpu.memory_space<semaphore_mem>>) src(%arg15 : memref<160x64xf32, #tpu.memory_space<vmem>>) dst(%dma_wait3A_103 : memref<160x64xf32, #tpu.memory_space<hbm>>)
        } else {
        }
        %scan3A_83 = arith.constant 0 : i32
        %scan3A_84 = arith.constant 0 : i32
        %scan3A_85 = arith.constant 160 : i32
        %scan3A_86 = arith.addi %scan3A_84, %scan3A_85 : i32
        %scan3A_87 = arith.constant 1 : i32
        scf.for %scan3A_95 = %scan3A_84 to %scan3A_86 step %scan3A_87  : i32 {
          %mul3A_96 = arith.constant 8 : i32
          %mul3A_97 = arith.muli %scan3A_95, %mul3A_96 : i32
          %add3A_98 = arith.constant 0 : i32
          %add3A_99 = arith.addi %mul3A_97, %add3A_98 : i32
          %get3A = arith.constant 0 : i32
          %get3A_100 = arith.index_cast %add3A_99 : i32 to index
          %get3A_101 = arith.index_cast %get3A : i32 to index
          %get3A_102 = arith.constant 0 : index
          %get3A_103 = tpu.vector_load %arg13[%get3A_100, %get3A_101, %get3A_102] {strides = array<i32>} : memref<1280x2x32xbf16, #tpu.memory_space<vmem>>, vector<32xbf16>,
          %add3A_104 = arith.constant 1 : i32
          %add3A_105 = arith.addi %mul3A_97, %add3A_104 : i32
          %get3A_106 = arith.constant 0 : i32
          %get3A_107 = arith.index_cast %add3A_105 : i32 to index
          %get3A_108 = arith.index_cast %get3A_106 : i32 to index
          %get3A_109 = arith.constant 0 : index
          %get3A_110 = tpu.vector_load %arg13[%get3A_107, %get3A_108, %get3A_109] {strides = array<i32>} : memref<1280x2x32xbf16, #tpu.memory_space<vmem>>, vector<32xbf16>,
          %add3A_111 = arith.addf %get3A_103, %get3A_110 : vector<32xbf16>
          %add3A_112 = arith.constant 2 : i32
          %add3A_113 = arith.addi %mul3A_97, %add3A_112 : i32
          %get3A_114 = arith.constant 0 : i32
          %get3A_115 = arith.index_cast %add3A_113 : i32 to index
          %get3A_116 = arith.index_cast %get3A_114 : i32 to index
          %get3A_117 = arith.constant 0 : index
          %get3A_118 = tpu.vector_load %arg13[%get3A_115, %get3A_116, %get3A_117] {strides = array<i32>} : memref<1280x2x32xbf16, #tpu.memory_space<vmem>>, vector<32xbf16>,
          %add3A_119 = arith.constant 3 : i32
          %add3A_120 = arith.addi %mul3A_97, %add3A_119 : i32
          %get3A_121 = arith.constant 0 : i32
          %get3A_122 = arith.index_cast %add3A_120 : i32 to index
          %get3A_123 = arith.index_cast %get3A_121 : i32 to index
          %get3A_124 = arith.constant 0 : index
          %get3A_125 = tpu.vector_load %arg13[%get3A_122, %get3A_123, %get3A_124] {strides = array<i32>} : memref<1280x2x32xbf16, #tpu.memory_space<vmem>>, vector<32xbf16>,
          %add3A_126 = arith.addf %get3A_118, %get3A_125 : vector<32xbf16>
          %add3A_127 = arith.constant 4 : i32
          %add3A_128 = arith.addi %mul3A_97, %add3A_127 : i32
          %get3A_129 = arith.constant 0 : i32
          %get3A_130 = arith.index_cast %add3A_128 : i32 to index
          %get3A_131 = arith.index_cast %get3A_129 : i32 to index
          %get3A_132 = arith.constant 0 : index
          %get3A_133 = tpu.vector_load %arg13[%get3A_130, %get3A_131, %get3A_132] {strides = array<i32>} : memref<1280x2x32xbf16, #tpu.memory_space<vmem>>, vector<32xbf16>,
          %add3A_134 = arith.constant 5 : i32
          %add3A_135 = arith.addi %mul3A_97, %add3A_134 : i32
          %get3A_136 = arith.constant 0 : i32
          %get3A_137 = arith.index_cast %add3A_135 : i32 to index
          %get3A_138 = arith.index_cast %get3A_136 : i32 to index
          %get3A_139 = arith.constant 0 : index
          %get3A_140 = tpu.vector_load %arg13[%get3A_137, %get3A_138, %get3A_139] {strides = array<i32>} : memref<1280x2x32xbf16, #tpu.memory_space<vmem>>, vector<32xbf16>,
          %add3A_141 = arith.addf %get3A_133, %get3A_140 : vector<32xbf16>
          %add3A_142 = arith.constant 6 : i32
          %add3A_143 = arith.addi %mul3A_97, %add3A_142 : i32
          %get3A_144 = arith.constant 0 : i32
          %get3A_145 = arith.index_cast %add3A_143 : i32 to index
          %get3A_146 = arith.index_cast %get3A_144 : i32 to index
          %get3A_147 = arith.constant 0 : index
          %get3A_148 = tpu.vector_load %arg13[%get3A_145, %get3A_146, %get3A_147] {strides = array<i32>} : memref<1280x2x32xbf16, #tpu.memory_space<vmem>>, vector<32xbf16>,
          %add3A_149 = arith.constant 7 : i32
          %add3A_150 = arith.addi %mul3A_97, %add3A_149 : i32
          %get3A_151 = arith.constant 0 : i32
          %get3A_152 = arith.index_cast %add3A_150 : i32 to index
          %get3A_153 = arith.index_cast %get3A_151 : i32 to index
          %get3A_154 = arith.constant 0 : index
          %get3A_155 = tpu.vector_load %arg13[%get3A_152, %get3A_153, %get3A_154] {strides = array<i32>} : memref<1280x2x32xbf16, #tpu.memory_space<vmem>>, vector<32xbf16>,
          %add3A_156 = arith.addf %get3A_148, %get3A_155 : vector<32xbf16>
          %add3A_157 = arith.addf %add3A_111, %add3A_126 : vector<32xbf16>
          %add3A_158 = arith.addf %add3A_141, %add3A_156 : vector<32xbf16>
          %add3A_159 = arith.addf %add3A_157, %add3A_158 : vector<32xbf16>
          %unpack3A = tpu.unpack_subelements %add3A_159, 0 {pack_format = #tpu.pack_format<interleaved>} : vector<32xbf16> -> vector<16xf32>
          %unpack3A_160 = tpu.unpack_subelements %add3A_159, 1 {pack_format = #tpu.pack_format<interleaved>} : vector<32xbf16> -> vector<16xf32>
          %swap3A = arith.index_cast %scan3A_95 : i32 to index
          %swap3A_161 = arith.constant 0 : index
          %swap3A_162 = tpu.vector_load %arg15[%swap3A, %swap3A_161] {strides = array<i32>} : memref<160x64xf32, #tpu.memory_space<vmem>>, vector<16xf32>,
          tpu.vector_store %arg15[%swap3A, %swap3A_161], %unpack3A {strides = array<i32>} : memref<160x64xf32, #tpu.memory_space<vmem>>, vector<16xf32>,
          %swap3A_163 = arith.index_cast %scan3A_95 : i32 to index
          %swap3A_164 = arith.constant 16 : index
          %swap3A_165 = tpu.vector_load %arg15[%swap3A_163, %swap3A_164] {strides = array<i32>} : memref<160x64xf32, #tpu.memory_space<vmem>>, vector<16xf32>,
          tpu.vector_store %arg15[%swap3A_163, %swap3A_164], %unpack3A_160 {strides = array<i32>} : memref<160x64xf32, #tpu.memory_space<vmem>>, vector<16xf32>,
          %add3A_166 = arith.constant 0 : i32
          %add3A_167 = arith.addi %mul3A_97, %add3A_166 : i32
          %get3A_168 = arith.constant 1 : i32
          %get3A_169 = arith.index_cast %add3A_167 : i32 to index
          %get3A_170 = arith.index_cast %get3A_168 : i32 to index
          %get3A_171 = arith.constant 0 : index
          %get3A_172 = tpu.vector_load %arg13[%get3A_169, %get3A_170, %get3A_171] {strides = array<i32>} : memref<1280x2x32xbf16, #tpu.memory_space<vmem>>, vector<32xbf16>,
          %add3A_173 = arith.constant 1 : i32
          %add3A_174 = arith.addi %mul3A_97, %add3A_173 : i32
          %get3A_175 = arith.constant 1 : i32
          %get3A_176 = arith.index_cast %add3A_174 : i32 to index
          %get3A_177 = arith.index_cast %get3A_175 : i32 to index
          %get3A_178 = arith.constant 0 : index
          %get3A_179 = tpu.vector_load %arg13[%get3A_176, %get3A_177, %get3A_178] {strides = array<i32>} : memref<1280x2x32xbf16, #tpu.memory_space<vmem>>, vector<32xbf16>,
          %add3A_180 = arith.addf %get3A_172, %get3A_179 : vector<32xbf16>
          %add3A_181 = arith.constant 2 : i32
          %add3A_182 = arith.addi %mul3A_97, %add3A_181 : i32
          %get3A_183 = arith.constant 1 : i32
          %get3A_184 = arith.index_cast %add3A_182 : i32 to index
          %get3A_185 = arith.index_cast %get3A_183 : i32 to index
          %get3A_186 = arith.constant 0 : index
          %get3A_187 = tpu.vector_load %arg13[%get3A_184, %get3A_185, %get3A_186] {strides = array<i32>} : memref<1280x2x32xbf16, #tpu.memory_space<vmem>>, vector<32xbf16>,
          %add3A_188 = arith.constant 3 : i32
          %add3A_189 = arith.addi %mul3A_97, %add3A_188 : i32
          %get3A_190 = arith.constant 1 : i32
          %get3A_191 = arith.index_cast %add3A_189 : i32 to index
          %get3A_192 = arith.index_cast %get3A_190 : i32 to index
          %get3A_193 = arith.constant 0 : index
          %get3A_194 = tpu.vector_load %arg13[%get3A_191, %get3A_192, %get3A_193] {strides = array<i32>} : memref<1280x2x32xbf16, #tpu.memory_space<vmem>>, vector<32xbf16>,
          %add3A_195 = arith.addf %get3A_187, %get3A_194 : vector<32xbf16>
          %add3A_196 = arith.constant 4 : i32
          %add3A_197 = arith.addi %mul3A_97, %add3A_196 : i32
          %get3A_198 = arith.constant 1 : i32
          %get3A_199 = arith.index_cast %add3A_197 : i32 to index
          %get3A_200 = arith.index_cast %get3A_198 : i32 to index
          %get3A_201 = arith.constant 0 : index
          %get3A_202 = tpu.vector_load %arg13[%get3A_199, %get3A_200, %get3A_201] {strides = array<i32>} : memref<1280x2x32xbf16, #tpu.memory_space<vmem>>, vector<32xbf16>,
          %add3A_203 = arith.constant 5 : i32
          %add3A_204 = arith.addi %mul3A_97, %add3A_203 : i32
          %get3A_205 = arith.constant 1 : i32
          %get3A_206 = arith.index_cast %add3A_204 : i32 to index
          %get3A_207 = arith.index_cast %get3A_205 : i32 to index
          %get3A_208 = arith.constant 0 : index
          %get3A_209 = tpu.vector_load %arg13[%get3A_206, %get3A_207, %get3A_208] {strides = array<i32>} : memref<1280x2x32xbf16, #tpu.memory_space<vmem>>, vector<32xbf16>,
          %add3A_210 = arith.addf %get3A_202, %get3A_209 : vector<32xbf16>
          %add3A_211 = arith.constant 6 : i32
          %add3A_212 = arith.addi %mul3A_97, %add3A_211 : i32
          %get3A_213 = arith.constant 1 : i32
          %get3A_214 = arith.index_cast %add3A_212 : i32 to index
          %get3A_215 = arith.index_cast %get3A_213 : i32 to index
          %get3A_216 = arith.constant 0 : index
          %get3A_217 = tpu.vector_load %arg13[%get3A_214, %get3A_215, %get3A_216] {strides = array<i32>} : memref<1280x2x32xbf16, #tpu.memory_space<vmem>>, vector<32xbf16>,
          %add3A_218 = arith.constant 7 : i32
          %add3A_219 = arith.addi %mul3A_97, %add3A_218 : i32
          %get3A_220 = arith.constant 1 : i32
          %get3A_221 = arith.index_cast %add3A_219 : i32 to index
          %get3A_222 = arith.index_cast %get3A_220 : i32 to index
          %get3A_223 = arith.constant 0 : index
          %get3A_224 = tpu.vector_load %arg13[%get3A_221, %get3A_222, %get3A_223] {strides = array<i32>} : memref<1280x2x32xbf16, #tpu.memory_space<vmem>>, vector<32xbf16>,
          %add3A_225 = arith.addf %get3A_217, %get3A_224 : vector<32xbf16>
          %add3A_226 = arith.addf %add3A_180, %add3A_195 : vector<32xbf16>
          %add3A_227 = arith.addf %add3A_210, %add3A_225 : vector<32xbf16>
          %add3A_228 = arith.addf %add3A_226, %add3A_227 : vector<32xbf16>
          %unpack3A_229 = tpu.unpack_subelements %add3A_228, 0 {pack_format = #tpu.pack_format<interleaved>} : vector<32xbf16> -> vector<16xf32>
          %unpack3A_230 = tpu.unpack_subelements %add3A_228, 1 {pack_format = #tpu.pack_format<interleaved>} : vector<32xbf16> -> vector<16xf32>
          %swap3A_231 = arith.index_cast %scan3A_95 : i32 to index
          %swap3A_232 = arith.constant 32 : index
          %swap3A_233 = tpu.vector_load %arg15[%swap3A_231, %swap3A_232] {strides = array<i32>} : memref<160x64xf32, #tpu.memory_space<vmem>>, vector<16xf32>,
          tpu.vector_store %arg15[%swap3A_231, %swap3A_232], %unpack3A_229 {strides = array<i32>} : memref<160x64xf32, #tpu.memory_space<vmem>>, vector<16xf32>,
          %swap3A_234 = arith.index_cast %scan3A_95 : i32 to index
          %swap3A_235 = arith.constant 48 : index
          %swap3A_236 = tpu.vector_load %arg15[%swap3A_234, %swap3A_235] {strides = array<i32>} : memref<160x64xf32, #tpu.memory_space<vmem>>, vector<16xf32>,
          tpu.vector_store %arg15[%swap3A_234, %swap3A_235], %unpack3A_230 {strides = array<i32>} : memref<160x64xf32, #tpu.memory_space<vmem>>, vector<16xf32>,
        }
        %scan3A_88 = arith.constant 160 : i32
        %mul3A_89 = arith.constant 160 : i32
        %mul3A_90 = arith.muli %sub3A_73, %mul3A_89 : i32
        %add3A_91 = arith.addi %mul3A_2, %mul3A_90 : i32
        %dma_start3A = arith.constant 0 : i32
        %dma_start3A_92 = tpu.memref_slice %arg5[%add3A_91, %dma_start3A] : memref<204800x64xf32, #tpu.memory_space<hbm>> -> memref<160x64xf32, #tpu.memory_space<hbm>>
        %dma_start3A_93 = arith.constant 0 : i32
        %dma_start3A_94 = tpu.memref_slice %arg5[%add3A_91, %dma_start3A_93] : memref<204800x64xf32, #tpu.memory_space<hbm>> -> memref<160x64xf32, #tpu.memory_space<hbm>>
        tpu.enqueue_dma source(%arg15 : memref<160x64xf32, #tpu.memory_space<vmem>>) target(%dma_start3A_94 : memref<160x64xf32, #tpu.memory_space<hbm>>) target_semaphore(%arg21 : memref<!tpu.dma_semaphore, #tpu.memory_space<semaphore_mem>>)
      } else {
      }
    }
    %scan3A_13 = arith.constant 21 : i32
    %add3A_14 = arith.constant 6080 : i32
    %add3A_15 = arith.addi %mul3A_2, %add3A_14 : i32
    %dma_wait3A = arith.constant 0 : i32
    %dma_wait3A_16 = tpu.memref_slice %arg5[%add3A_15, %dma_wait3A] : memref<204800x64xf32, #tpu.memory_space<hbm>> -> memref<160x64xf32, #tpu.memory_space<hbm>>
    %dma_wait3A_17 = arith.constant 0 : i32
    %dma_wait3A_18 = tpu.memref_slice %arg5[%add3A_15, %dma_wait3A_17] : memref<204800x64xf32, #tpu.memory_space<hbm>> -> memref<160x64xf32, #tpu.memory_space<hbm>>
    tpu.wait_dma2 semaphore(%arg20 : memref<!tpu.dma_semaphore, #tpu.memory_space<semaphore_mem>>) src(%arg14 : memref<160x64xf32, #tpu.memory_space<vmem>>) dst(%dma_wait3A_18 : memref<160x64xf32, #tpu.memory_space<hbm>>)
    %add3A_19 = arith.constant 6240 : i32
    %add3A_20 = arith.addi %mul3A_2, %add3A_19 : i32
    %dma_wait3A_21 = arith.constant 0 : i32
    %dma_wait3A_22 = tpu.memref_slice %arg5[%add3A_20, %dma_wait3A_21] : memref<204800x64xf32, #tpu.memory_space<hbm>> -> memref<160x64xf32, #tpu.memory_space<hbm>>
    %dma_wait3A_23 = arith.constant 0 : i32
    %dma_wait3A_24 = tpu.memref_slice %arg5[%add3A_20, %dma_wait3A_23] : memref<204800x64xf32, #tpu.memory_space<hbm>> -> memref<160x64xf32, #tpu.memory_space<hbm>>
    tpu.wait_dma2 semaphore(%arg21 : memref<!tpu.dma_semaphore, #tpu.memory_space<semaphore_mem>>) src(%arg15 : memref<160x64xf32, #tpu.memory_space<vmem>>) dst(%dma_wait3A_24 : memref<160x64xf32, #tpu.memory_space<hbm>>)
    return
  }
}

</mosaic_0001>

<sc_bundles>
// kernel: _run.3.cloned.1.call-start
scs
__scs_entry_jumppad:
0x0: {  	(pc) =	sbr.rel $0x88, $3  }
0x1: {  	(tag) =	ssettag $0x0;
	lr =	simm.s32 $0x1  }
0x2: {  	[smem:$0x3F9E] =	sst lr;
	_ =	strace $0xD0000000  }
0x3: {  	_ = 	snop  }
0x4: {  	_ = 	snop  }
0x5: {  	_ = 	snop  }
0x6: {  	_ = 	snop  }
0x7: {  	_ = 	snop  }
__scs_overlays_trampoline_lowered:
0x8: {  	[smem:$0x3FAD] =	sst s0  }
0x9: {  	[smem:$0x3FAE] =	sst s1  }
0xa: {  	[smem:$0x3FAF] =	sst s2  }
0xb: {  	[smem:$0x3FB0] =	sst s3  }
0xc: {  	[smem:$0x3FB1] =	sst s4  }
0xd: {  	[smem:$0x3FB2] =	sst s5  }
0xe: {  	[smem:$0x3FB3] =	sst s6  }
0xf: {  	[smem:$0x3FB4] =	sst s7  }
0x10: {  	[smem:$0x3FB5] =	sst s8  }
0x11: {  	[smem:$0x3FB6] =	sst s9;
	s0 =	simm.s32 @!p0 $0x0  }
0x12: {  	s1 =	sld [smem:$0x3F9C];
	s0 =	simm.s32 @p0 $0x1  }
0x13: {  	[smem:$0x3FB7] =	sst s0;
	s0 =	simm.s32 @!p1 $0x0  }
0x14: {  	s2 =	sld [smem:$0x3F9B];
	s0 =	simm.s32 @p1 $0x1  }
0x15: {  	[smem:$0x3FB8] =	sst s0;
	s0 =	simm.s32 @!p2 $0x0  }
0x16: {  	s3 =	sld [smem:$0x3FDB];
	s0 =	simm.s32 @p2 $0x1  }
0x17: {  	s4 =	simm.s32 $0x1BF5;
	[smem:$0x3FBA] =	sst s0  }
0x18: {  	s0 =	sld [smem:$0x3F9D];
	_ =	swait.ge [sflag:s4], $0x0  }
0x19: {  	s7 =	sld [smem:$0x3F9E]  }
0x1a: {  	s8 =	sadd.s32 $0xFFFFE003, lr  }
0x1b: {  	s9 =	sadd.s32 $0xFFFFFEF7, lr;
	s5 =	simm.s32 $0xFFFFFFFF;
	p2 =	slt.u32 s8, $0xFFFFF086  }
0x1c: {  	p1 =	slt.u32 s9, $0xF7A;
	s5 =	simm.s32 @!p2 $0x0  }
0x1d: {  	s5 =	simm.s32 @p1 $0x1;
	p0 =	seq.s32 s7, s2  }
0x1e: {  	s7 =	smul.u32 @!p0 $0xF7A, s2;
	p2 =	seq.s32 @!p0 s5, $0x0  }
0x1f: {  	s9 =	smul.u32 $0xF7A, s1;
	s8 =	simm.s32 @!p0 $0x1BF5;
	p2 =	por !p2, p0  }
0x20: {  	[sflag:s8] =	ssyncset.s32 @!p0 $0xFFFFF086;
	s6 =	sadd.s32 @!p0 s3, s7;
	s7 =	simm.s32 @!p0 $0x108  }
0x21: {  	s3 =	sadd.s32 s3, s9;
	s6 =	sadd.s32 @!p0 $0x88, s6;
	s7 =	simm.s32 @p2 $0x1082  }
0x22: {  	[simem:s7], [sflag:s8] =	dma.local @!p0 [hbm:s6], $0xF7A  }
0x23: {  	s9 =	sor.u32 $0xD0000000, s2;
	s6 =	simm.s32 $0x108;
	_ =	swait.ge @!p0 [sflag:s8], $0x0  }
0x24: {  	s3 =	sadd.s32 $0x88, s3;
	s6 =	simm.s32 @!p1 $0x1082;
	[sflag:s4] =	ssyncset.s32 $0xFFFFF086  }
0x25: {  	[simem:s6], [sflag:s4] =	dma.local [hbm:s3], $0xF7A  }
0x26: {  	[smem:$0x3F9E] =	sst s1;
	(tag) =	ssettag s2;
	_ =	strace s9  }
0x27: {  	s1 =	sld [smem:$0x3FAE]  }
0x28: {  	s2 =	sld [smem:$0x3FAF]  }
0x29: {  	s4 =	sld [smem:$0x3FB1]  }
0x2a: {  	p0 =	seq.s32 s5, $0x0;
	s5 =	sld [smem:$0x3FB2]  }
0x2b: {  	s6 =	sld [smem:$0x3FB3]  }
0x2c: {  	s7 =	sld [smem:$0x3FB4]  }
0x2d: {  	s3 =	simm.s32 $0x108;
	s8 =	sld [smem:$0x3FB5]  }
0x2e: {  	s3 =	simm.s32 @!p0 $0x1082;
	s9 =	sld [smem:$0x3FB6]  }
0x2f: {  	lr =	sadd.s32 s0, s3;
	s0 =	sld [smem:$0x3FAD]  }
0x30: {  	s3 =	sld [smem:$0x3FB0]  }
0x31: {  	[smem:$0x3FB9] =	sst s10  }
0x32: {  	s10 =	sld [smem:$0x3FB7];
	_ =	sdelay $0x3  }
0x33: {  	p0 =	seq.s32 s10, $0x1;
	s10 =	sld [smem:$0x3FB9];
	_ =	sdelay $0x3  }
0x34: {  	[smem:$0x3FB9] =	sst s10  }
0x35: {  	s10 =	sld [smem:$0x3FB8];
	_ =	sdelay $0x3  }
0x36: {  	p1 =	seq.s32 s10, $0x1;
	s10 =	sld [smem:$0x3FB9];
	_ =	sdelay $0x3  }
0x37: {  	[smem:$0x3FB9] =	sst s10  }
0x38: {  	s10 =	sld [smem:$0x3FBA]  }
0x39: {  	_ = 	snop;
	(pc) =	sbr.ind lr, $3  }
0x3a: {  	_ = 	snop  }
0x3b: {  	_ = 	snop  }
0x3c: {  	p2 =	seq.s32 s10, $0x1;
	s10 =	sld [smem:$0x3FB9]  }
0x3d: {  	_ =	shalt  }
0x3e: {  	_ =	shalt  }
0x3f: {  	_ =	shalt  }
0x40: {  	_ =	shalt  }
0x41: {  	_ =	shalt  }
0x42: {  	_ =	shalt  }
0x43: {  	_ =	shalt  }
0x44: {  	_ =	shalt  }
0x45: {  	_ =	shalt  }
0x46: {  	_ =	shalt  }
0x47: {  	_ =	shalt  }
0x48: {  	_ =	shalt  }
0x49: {  	_ =	shalt  }
0x4a: {  	_ =	shalt  }
0x4b: {  	_ =	shalt  }
0x4c: {  	_ =	shalt  }
0x4d: {  	_ =	shalt  }
0x4e: {  	_ =	shalt  }
0x4f: {  	_ =	shalt  }
0x50: {  	_ =	shalt  }
0x51: {  	_ =	shalt  }
0x52: {  	_ =	shalt  }
0x53: {  	_ =	shalt  }
0x54: {  	_ =	shalt  }
0x55: {  	_ =	shalt  }
0x56: {  	_ =	shalt  }
0x57: {  	_ =	shalt  }
0x58: {  	_ =	shalt  }
0x59: {  	_ =	shalt  }
0x5a: {  	_ =	shalt  }
0x5b: {  	_ =	shalt  }
0x5c: {  	_ =	shalt  }
0x5d: {  	_ =	shalt  }
0x5e: {  	_ =	shalt  }
0x5f: {  	_ =	shalt  }
0x60: {  	_ =	shalt  }
0x61: {  	_ =	shalt  }
0x62: {  	_ =	shalt  }
0x63: {  	_ =	shalt  }
0x64: {  	_ =	shalt  }
0x65: {  	_ =	shalt  }
0x66: {  	_ =	shalt  }
0x67: {  	_ =	shalt  }
0x68: {  	_ =	shalt  }
0x69: {  	_ =	shalt  }
0x6a: {  	_ =	shalt  }
0x6b: {  	_ =	shalt  }
0x6c: {  	_ =	shalt  }
0x6d: {  	_ =	shalt  }
0x6e: {  	_ =	shalt  }
0x6f: {  	_ =	shalt  }
0x70: {  	_ =	shalt  }
0x71: {  	_ =	shalt  }
0x72: {  	_ =	shalt  }
0x73: {  	_ =	shalt  }
0x74: {  	_ =	shalt  }
0x75: {  	_ =	shalt  }
0x76: {  	_ =	shalt  }
0x77: {  	_ =	shalt  }
0x78: {  	_ =	shalt  }
0x79: {  	_ =	shalt  }
0x7a: {  	_ =	shalt  }
0x7b: {  	_ =	shalt  }
0x7c: {  	_ =	shalt  }
0x7d: {  	_ =	shalt  }
0x7e: {  	_ =	shalt  }
0x7f: {  	_ =	shalt  }
0x80: {  	_ =	shalt  }
0x81: {  	_ =	shalt  }
0x82: {  	_ =	shalt  }
0x83: {  	_ =	shalt  }
0x84: {  	_ =	shalt  }
0x85: {  	_ =	shalt  }
0x86: {  	_ =	shalt  }
0x87: {  	_ =	shalt  }
.Lfunc_end0:
.L_simem_size_0:
called_computation.1_lowered:
.L_overlay_start_0:
0x88: {  	s2 =	sld [smem:$0x3FD9]  }
0x89: {  	s3 =	sld [smem:$0x3FFE];
	_ =	sdelay $0x1  }
0x8a: {  	s1 =	srdreg.scid  }
0x8b: {  	s0 =	sand.u32 $0x1, s1  }
0x8c: {  	s17 =	sshll.u32 s0, $0xA;
	s2 =	sadd.s32 s3, s2  }
0x8d: {  	s2 =	sadd.s32 s2, s17  }
0x8e: {  	[smem:$0x3FC5] =	sst s2  }
0x8f: {  	_ = 	snop  }
0x90: {  	s2 =	sld [smem:$0x3FC9]  }
0x91: {  	s18 =	sld [smem:$0x3FD0];
	(tm) =	ssettm $0x1  }
0x92: {  	s4 =	sld [smem:$0x3FFB];
	_ =	sdelay $0x3  }
0x93: {  	_ =	strace s4  }
0x94: {  	s4 =	sld [smem:$0x3FFC];
	_ =	sdelay $0x3  }
0x95: {  	_ =	strace s4  }
0x96: {  	s4 =	sld [smem:$0x3FFD];
	_ =	sdelay $0x3  }
0x97: {  	_ =	strace s4  }
0x98: {  	_ =	strace $0x8FFFFFFF  }
0x99: {  	s19 =	sld [smem:$0x3FDB];
	_ =	sdelay $0x1  }
0x9a: {  	s5 =	simm.s32 $_scs_section_size  }
0x9b: {  	s6 =	simm.s32 $_size__tile_overlayer_lowered;
	s7 =	simm.s32 $_tile_overlayer_lowered  }
0x9c: {  	s22 =	simm.s32 $0x1BFF;
	s21 =	sshll.u32 s7, $0x1;
	s4 =	sadd.s32 s5, s19  }
0x9d: {  	s8 =	simm.s32 $0x0;
	s20 =	sshll.u32 s6, $0x1;
	s6 =	sadd.s32 s21, s4  }
0x9e: {  	[timem:s8], [sflag:s22] =	dma.local [hbm:s6], s20  }
0x9f: {  	_ =	swait.ge [sflag:s22], s20  }
0xa0: {  	s5 =	ssub.s32 $0x0, s20;
	[sflag:s22] =	ssyncset.done $0x0  }
0xa1: {  	[sflag:s22] =	ssyncadd.s32 s5;
	_ =	sdelay $0x1  }
0xa2: {  	s23 =	simm.s32 $0x1B8B  }
0xa3: {  	_ =	swait.ge [sflag:s23], $0x1  }
0xa4: {  	[sflag:s23] =	ssyncset.done $0x0  }
0xa5: {  	s25 =	simm.s32 $0x1B8E;
	s24 =	sld [smem:$0x3FFE];
	[sflag:s23] =	ssyncadd.s32 $0xFFFFFFFF  }
0xa6: {  	s26 =	simm.s32 $execute0_lowered;
	[smem:$0x3FD2] =	sst s25  }
0xa7: {  	s6 =	sshll.u32 s26, $0x1;
	_ =	strace $0x80000046;
	[dreg:$0x1] =	wrdreg $0xFFFFFFFF  }
0xa8: {  	s28 =	simm.s32 $_size_execute0_lowered;
	s4 =	sadd.s32 s4, s6;
	[dreg:$0x0] =	wrdreg $0x0  }
0xa9: {  	s6 =	sshll.u32 s28, $0x1;
	[dreg:$0x2] =	wrdreg s4  }
0xaa: {  	[dreg:$0x3] =	wrdreg s6  }
0xab: {  	[dreg:$0x4] =	wrdreg $0xC0  }
0xac: {  	_ =	task [dreg:s8], $0x5FFFF  }
0xad: {  	[dreg:$0x1] =	wrdreg $0xFFFFFFFF  }
0xae: {  	[dreg:$0x0] =	wrdreg $0x60  }
0xaf: {  	[dreg:$0x2] =	wrdreg s2  }
0xb0: {  	[dreg:$0x3] =	wrdreg s24  }
0xb1: {  	[dreg:$0x4] =	wrdreg s18  }
0xb2: {  	[dreg:$0x5] =	wrdreg $0x0  }
0xb3: {  	[dreg:$0x6] =	wrdreg $0x9  }
0xb4: {  	_ =	task.clear_ibuf [dreg:s8], $0x7FFFF;
	_ =	strace $0x90000046  }
0xb5: {  	s29 =	simm.s32 $0x9;
	_ =	strace $0x80000048  }
0xb6: {  	_ =	swait.ge [sflag:s29], $0x1  }
0xb7: {  	[sflag:s29] =	ssyncadd.s32 $0xFFFFFFFF  }
0xb8: {  	_ =	strace $0x90000048  }
0xb9: {  	_ =	sfence  }
0xba: {  	s30 =	sld [smem:$0x0];
	_ =	sdelay $0x2  }
0xbb: {  	s31 =	sshll.u32 s1, $0xD;
	s1 =	sshrl.u32 s1, $0x2  }
0xbc: {  	s3 =	sand.u32 $0x4000, s31;
	s1 =	sadd.s32 s1, s30  }
0xbd: {  	s0 =	sor.u32 s3, s0;
	s1 =	sshll.u32 s1, $0x11  }
0xbe: {  	s0 =	sor.u32 s1, s0  }
0xbf: {  	s0 =	sadd.s32 $0x8F2B, s0  }
0xc0: {  	[sflag:s0] =	ssyncadd.remote.s32 $0x1  }
0xc1: {  	_ =	sfence.sel $0xFFFF  }
0xc2: {  	[dreg:$0x0] =	wrdreg $0xFFFFFFFF;
	(pc) =	sbr.abs _section_cstart, $3  }
0xc3: {  	[dreg:$0x1] =	wrdreg $0xFFFFFFFF  }
0xc4: {  	_ =	task.clear_ibuf [dreg:s8], $0x2FFFF;
	_ =	strace $0x9FFFFFFF  }
0xc5: {  	(tm) =	ssettm $0x7FFFFFFF  }
tec
execute0_lowered:
.L_overlay_start_1:
0x0: {  	(tag) =	ssettag $0x1  }
0x1: {  	s1 =	rddreg [dreg:$0x0]  }
0x2: {  	s5 =	rddreg [dreg:$0x1]  }
0x3: {  	s0 =	rddreg [dreg:$0x2]  }
0x4: {  	s3 =	srdreg.scid;
	s6 =	stileid.u32  }
0x5: {  	s2 =	rddreg [dreg:$0x3];
	s12 =	simm.s32 $0x7;
	s13 =	simm.s32 $0x2  }
0x6: {  	s14 =	simm.s32 $0x2E00;
	s15 =	simm.s32 $0x500;
	s16 =	simm.s32 $0x3800  }
0x7: {  	s17 =	simm.s32 $0xDD00;
	s18 =	simm.s32 $0x3;
	s19 =	simm.s32 $0x17D00  }
0x8: {  	s20 =	simm.s32 $0x1;
	s21 =	simm.s32 $0x2900;
	s22 =	simm.s32 $0x3300  }
0x9: {  	s23 =	simm.s32 $0x3D00;
	s24 =	simm.s32 $0x5;
	s28 =	simm.s32 $0x1A500  }
0xa: {  	s29 =	simm.s32 $0xA0;
	s30 =	simm.s32 $0x0;
	s4 =	sand.u32 $0x1, s3  }
0xb: {  	s7 =	sshll.u32 s6, $0x1;
	s3 =	simm.s32 $0x0;
	p0 =	sne.s32 s6, $0x0  }
0xc: {  	s7 =	sor.u32 s4, s7;
	[smem:$0x7FF] =	sst s3;
	s25 =	ssub.s32 $0x2, s4  }
0xd: {  	s4 =	sadd.s32 $0xF42E00, s5;
	s5 =	sadd.s32 $0xA00, s5;
	s8 =	smul.u32 $0x1900, s7  }
.Ltmp0:
0xe: {  	_ =	strace $0x80000047;
	s9 =	sshrl.u32 s25, $0x1;
	(pc) =	sbr.rel .LBB2_1-.Ltmp0, $4  }
0xf: {  	[dreg:$0x5] =	wrdreg s5;
	s26 =	ssub.s32 s25, s9;
	s25 =	simm.s32 $0x6  }
0x10: {  	v1 =	vlaneseq.u32;
	s10 =	sshrl.u32 s8, $0x3;
	s7 =	sadd.s32 $0x3FFFEC0, s8;
	s31 =	smax.u32 s26, $0x1  }
0x11: {  	v0 =	vshrl.u32 v1, $0x3;
	s8 =	sadd.s32 $0x3FFFF60, s8;
	s1 =	sadd.s32 s1, s10;
	[dreg:$0x7] =	wrdreg s31  }
0x12: {  	v1 =	vand.u32 $0x7, v1;
	v0 =	vmul.u32 $0x8, v0;
	s26 =	simm.s32 $0x4;
	s10 =	sshrl.u32 @!p0 s2, $0x3;
	[dreg:$0x6] =	wrdreg s1  }
.LBB2_18:
0x13: {  	_ =	swait.ge [sflag:s24], $0x2800  }
0x14: {  	[sflag:s24] =	ssyncset.done $0x0  }
0x15: {  	[sflag:s24] =	ssyncadd.s32 $0xFFFFD800  }
0x16: {  	_ =	swait.ge [sflag:s25], $0x2800  }
0x17: {  	s30 =	sadd.s32 $0x1, s30;
	s1 =	rddreg [dreg:$0x7]  }
0x18: {  	p1 =	sne.s32 s30, s1  }
.Ltmp1:
0x19: {  	_ = 	snop;
	(pc) =	sbr.rel @!p1 .LBB2_19-.Ltmp1, $3  }
0x1a: {  	_ =	sdelay $0x1  }
0x1b: {  	[sflag:s25] =	ssyncset.done $0x0  }
0x1c: {  	[sflag:s25] =	ssyncadd.s32 $0xFFFFD800  }
.LBB2_1:
0x1d: {  	s1 =	simm.s32 @!p0 $0x1C07;
	s5 =	rddreg [dreg:$0x5]  }
0x1e: {  	[spmem:s10], [sflag:s1] =	dma.local @!p0 [hbm:s5], $0x2000  }
0x1f: {  	s1 =	simm.s32 @!p0 $0x7  }
0x20: {  	_ =	swait.ge @!p0 [sflag:s1], $0x2000  }
0x21: {  	[sflag:s1] =	ssyncset.done @!p0 $0x0  }
0x22: {  	s11 =	simm.s32 $0x1000;
	s9 =	rddreg [dreg:$0x6];
	[sflag:s1] =	ssyncadd.s32 @!p0 $0xFFFFE000  }
0x23: {  	[tilespmem:s11], [sflag:$0x7] =	stream.linear.gather [hbm4b:s9+s3], $0x1900, $0x38;
	[tilespmem:$0x1CD00] =	vst v63  }
.Ltmp2:
0x24: {  	_ =	swait.ge [sflag:s12], $0x1900;
	(pc) =	sbr.rel .LBB2_2-.Ltmp2, $4  }
0x25: {  	[sflag:s12] =	ssyncset.done $0x0  }
0x26: {  	[sflag:s12] =	ssyncadd.s32 $0xFFFFE700  }
0x27: {  	[bflag:$0x0] =	sbarrier.arrive $0xFFFF  }
0x28: {  	s31 =	simm.s32 $0x0  }
.LBB2_17:
0x29: {  	s31 =	sadd.s32 $0x1, s31  }
0x2a: {  	p1 =	sne.s32 s31, $0x15  }
.Ltmp3:
0x2b: {  	_ = 	snop;
	(pc) =	sbr.rel @!p1 .LBB2_18-.Ltmp3, $1  }
0x2c: {  	_ =	sdelay $0x3  }
.LBB2_2:
0x2d: {  	p1 =	seq.s32 s31, $0x14  }
0x2e: {  	s5 =	smul.u32 @!p1 $0x500, s31;
	_ =	sdelay $0x1  }
0x2f: {  	s1 =	sshll.u32 s31, $0x1;
	s5 =	sshra.s32 @!p1 s5, $0x2  }
0x30: {  	s6 =	simm.s32 @!p1 $0xA0;
	s11 =	simm.s32 @!p1 $0x2900;
	s5 =	sadd.s32 @!p1 $0x1000, s5  }
0x31: {  	[tilespmem:s11], [sflag:$0x1] =	stream.indirect.gather @!p1 [hbm4b:s4+s6], $0x8, s5, s6, $0xb8;
	[tilespmem:$0x1CD00] =	vst v63  }
0x32: {  	s5 =	sadd.s32 @!p1 $0xFFFFFFFE, s1  }
0x33: {  	p2 =	sgt.u32 @!p1 s5, $0x27  }
0x34: {  	p2 =	por p1, !p2  }
.Ltmp4:
0x35: {  	_ = 	snop;
	(pc) =	sbr.rel @!p2 .LBB2_8-.Ltmp4, $2  }
0x36: {  	_ =	sdelay $0x2  }
0x37: {  	s5 =	simm.s32 @!p1 $0x1  }
0x38: {  	s5 =	simm.s32 $0x0  }
0x39: {  	v2 =	vmov s5  }
0x3a: {  	v2 =	vshll.u32 v2, $0x3  }
0x3b: {  	v2 =	vor.u32 v0, v2  }
0x3c: {  	v2 =	vor.u32 v1, v2;
	_ =	sdelay $0x1  }
0x3d: {  	_ =	swait.ge [sflag:s13], $0x500  }
0x3e: {  	[sflag:s13] =	ssyncset.done $0x0  }
0x3f: {  	s11 =	simm.s32 $0x2;
	[sflag:s13] =	ssyncadd.s32 $0xFFFFFB00  }
0x40: {  	v4 =	vld.idx.msk [tilespmem:v2+s14+$0x0], $0xffff;
	v2 =	vmov s11  }
0x41: {  	v2 =	vshll.u32 v2, $0x3  }
0x42: {  	v2 =	vor.u32 v0, v2  }
0x43: {  	v2 =	vor.u32 v1, v2;
	_ =	sdelay $0x2  }
0x44: {  	s6 =	simm.s32 $0x4;
	s5 =	simm.s32 $0x3800  }
0x45: {  	v3 =	vmov s6;
	s6 =	simm.s32 $0x6;
	[tilespmem:s5+$0x0] =	vst v4  }
.LBB2_4:
0x46: {  	p2 =	sne.s32 s6, $0x9E;
	v3 =	vshll.u32 v3, $0x3;
	v4 =	vld.idx.msk [tilespmem:v2+s14+$0x0], $0xffff  }
0x47: {  	v2 =	vor.u32 v0, v3  }
.Ltmp5:
0x48: {  	v2 =	vor.u32 v1, v2;
	(pc) =	sbr.rel @p2 .LBB2_4-.Ltmp5, $3  }
0x49: {  	_ =	sdelay $0x1  }
0x4a: {  	s5 =	sadd.s32 $0x10, s5  }
0x4b: {  	v3 =	vmov s6;
	s6 =	sadd.s32 $0x2, s6;
	[tilespmem:s5+$0x0] =	vst v4  }
0x4c: {  	_ =	sdelay $0x2  }
0x4d: {  	v3 =	vshll.u32 v3, $0x3  }
0x4e: {  	v2 =	vld.idx.msk [tilespmem:v2+s14+$0x0], $0xffff;
	v3 =	vor.u32 v0, v3  }
0x4f: {  	v3 =	vor.u32 v1, v3;
	_ =	sdelay $0x2  }
0x50: {  	s5 =	sadd.s32 $0x10, s5  }
0x51: {  	[tilespmem:s5+$0x0] =	vst v2  }
0x52: {  	v2 =	vld.idx.msk [tilespmem:v3+s14+$0x0], $0xffff;
	_ =	sdelay $0x3  }
0x53: {  	s5 =	sadd.s32 $0x10, s5  }
0x54: {  	[tilespmem:s5+$0x0] =	vst v2  }
0x55: {  	[tilespmem:s17], [sflag:$0x4] =	stream.indirect.gather [spmem:s2], $0x20, s16, s15, $0xb8;
	[tilespmem:$0x1CD00] =	vst v63  }
0x56: {  	_ =	swait.ge [sflag:s18], $0xA000  }
0x57: {  	p2 =	slt.u32 s31, $0x2;
	[sflag:s18] =	ssyncset.done $0x0  }
0x58: {  	s5 =	simm.s32 @!p2 $0x5;
	[sflag:s18] =	ssyncadd.s32 $0xFFFF6000  }
0x59: {  	_ =	swait.ge @!p2 [sflag:s5], $0x2800  }
0x5a: {  	[sflag:s5] =	ssyncset.done @!p2 $0x0  }
0x5b: {  	s11 =	simm.s32 $0x3D80;
	[sflag:s5] =	ssyncadd.s32 @!p2 $0xFFFFD800  }
0x5c: {  	v2 =	vld [tilespmem:s11+$0xFFFFFF80]  }
0x5d: {  	v3 =	vld [tilespmem:s11+$0x60]  }
0x5e: {  	v4 =	vld [tilespmem:s11+$0x40]  }
0x5f: {  	v5 =	vld [tilespmem:s11+$0x20]  }
0x60: {  	v6 =	vld [tilespmem:s11+$0x0]  }
0x61: {  	v7 =	vld [tilespmem:s11+$0xFFFFFFE0]  }
0x62: {  	v8 =	vld [tilespmem:s11+$0xFFFFFFC0]  }
0x63: {  	v9 =	vld [tilespmem:s11+$0xFFFFFFA0];
	_ =	sdelay $0x3  }
0x64: {  	v5 =	vadd.bf16 v5, v6;
	v6 =	vadd.bf16 v7, v8  }
0x65: {  	v2 =	vadd.bf16 v9, v2;
	v3 =	vadd.bf16 v3, v4;
	_ =	sdelay $0x1  }
0x66: {  	v2 =	vadd.bf16 v6, v2;
	v3 =	vadd.bf16 v3, v5;
	_ =	sdelay $0x1  }
0x67: {  	v2 =	vadd.bf16 v3, v2;
	_ =	sdelay $0x1  }
0x68: {  	s6 =	simm.s32 $0x0;
	v3 =	vunpack.i.l.bf16.f32 v2  }
0x69: {  	v2 =	vunpack.i.u.bf16.f32 v2;
	[tilespmem:s6+$0x17D00] =	vst v3  }
0x6a: {  	[tilespmem:s6+$0x17D10] =	vst v2  }
0x6b: {  	v6 =	vld [tilespmem:s11+$0x70]  }
0x6c: {  	v5 =	vld [tilespmem:s11+$0xFFFFFFF0]  }
0x6d: {  	v8 =	vld [tilespmem:s11+$0xFFFFFFD0]  }
0x6e: {  	v63 =	vld [tilespmem:s11+$0x50]  }
0x6f: {  	v2 =	vld [tilespmem:s11+$0x30]  }
0x70: {  	v3 =	vld [tilespmem:s11+$0xFFFFFF90]  }
0x71: {  	v4 =	vld [tilespmem:s11+$0x10]  }
0x72: {  	v7 =	vld [tilespmem:s11+$0xFFFFFFB0];
	_ =	sdelay $0x1  }
0x73: {  	s5 =	simm.s32 $0x100;
	v5 =	vadd.bf16 v5, v8;
	v6 =	vadd.bf16 v6, v63  }
.LBB2_6:
0x74: {  	p2 =	sne.s32 s5, $0x9F00  }
0x75: {  	s11 =	sadd.s32 $0x100, s11;
	s9 =	smov.u32 s5;
	s5 =	sadd.s32 $0x100, s5  }
0x76: {  	v2 =	vadd.bf16 v2, v4;
	v3 =	vadd.bf16 v7, v3;
	_ =	sdelay $0x1  }
0x77: {  	v2 =	vadd.bf16 v6, v2;
	v3 =	vadd.bf16 v5, v3;
	_ =	sdelay $0x1  }
0x78: {  	v2 =	vadd.bf16 v2, v3;
	_ =	sdelay $0x1  }
0x79: {  	v3 =	vunpack.i.u.bf16.f32 v2;
	v2 =	vunpack.i.l.bf16.f32 v2  }
0x7a: {  	[tilespmem:s6+$0x17D20] =	vst v2  }
0x7b: {  	[tilespmem:s6+$0x17D30] =	vst v3  }
0x7c: {  	v2 =	vld [tilespmem:s11+$0xFFFFFF80]  }
0x7d: {  	v3 =	vld [tilespmem:s11+$0x60]  }
0x7e: {  	v4 =	vld [tilespmem:s11+$0x40]  }
0x7f: {  	v5 =	vld [tilespmem:s11+$0x20]  }
0x80: {  	v6 =	vld [tilespmem:s11+$0x0]  }
0x81: {  	v7 =	vld [tilespmem:s11+$0xFFFFFFE0]  }
0x82: {  	v8 =	vld [tilespmem:s11+$0xFFFFFFC0]  }
0x83: {  	v9 =	vld [tilespmem:s11+$0xFFFFFFA0];
	_ =	sdelay $0x1  }
0x84: {  	v5 =	vadd.bf16 v5, v6;
	_ =	sdelay $0x1  }
0x85: {  	v6 =	vadd.bf16 v7, v8  }
0x86: {  	v3 =	vadd.bf16 v3, v4;
	v2 =	vadd.bf16 v9, v2;
	_ =	sdelay $0x1  }
0x87: {  	v3 =	vadd.bf16 v3, v5;
	v2 =	vadd.bf16 v6, v2;
	_ =	sdelay $0x1  }
0x88: {  	v2 =	vadd.bf16 v3, v2;
	_ =	sdelay $0x1  }
0x89: {  	s6 =	sshra.s32 s9, $0x2;
	v3 =	vunpack.i.u.bf16.f32 v2;
	v2 =	vunpack.i.l.bf16.f32 v2  }
0x8a: {  	[tilespmem:s6+$0x17D00] =	vst v2  }
0x8b: {  	[tilespmem:s6+$0x17D10] =	vst v3  }
0x8c: {  	v6 =	vld [tilespmem:s11+$0x70]  }
0x8d: {  	v5 =	vld [tilespmem:s11+$0xFFFFFFF0]  }
0x8e: {  	v2 =	vld [tilespmem:s11+$0x30]  }
0x8f: {  	v8 =	vld [tilespmem:s11+$0xFFFFFFD0]  }
0x90: {  	v3 =	vld [tilespmem:s11+$0xFFFFFF90]  }
0x91: {  	v9 =	vld [tilespmem:s11+$0x50]  }
.Ltmp6:
0x92: {  	v4 =	vld [tilespmem:s11+$0x10];
	(pc) =	sbr.rel @p2 .LBB2_6-.Ltmp6, $3  }
0x93: {  	v7 =	vld [tilespmem:s11+$0xFFFFFFB0];
	_ =	sdelay $0x1  }
0x94: {  	v5 =	vadd.bf16 v5, v8  }
0x95: {  	v6 =	vadd.bf16 v6, v9  }
0x96: {  	_ = 	snop  }
0x97: {  	v2 =	vadd.bf16 v2, v4;
	v3 =	vadd.bf16 v7, v3;
	_ =	sdelay $0x1  }
0x98: {  	v2 =	vadd.bf16 v6, v2;
	v3 =	vadd.bf16 v5, v3  }
0x99: {  	s5 =	smul.u32 $0x140, s31  }
0x9a: {  	v2 =	vadd.bf16 v2, v3  }
0x9b: {  	s5 =	sadd.s32 s5, s7  }
.Ltmp7:
0x9c: {  	s5 =	sshll.u32 s5, $0x3;
	v3 =	vunpack.i.l.bf16.f32 v2;
	(pc) =	sbr.rel @p1 .LBB2_9-.Ltmp7, $4  }
0x9d: {  	s5 =	sand.u32 $0x1FFFFE00, s5;
	v2 =	vunpack.i.u.bf16.f32 v2;
	[tilespmem:s6+$0x17D20] =	vst v3  }
0x9e: {  	s5 =	sadd.s32 s0, s5;
	[tilespmem:s6+$0x17D30] =	vst v2  }
0x9f: {  	[hbm4b:s5+s3] =	stream.linear.scatter [tilespmem:s19], [sflag:$0x5], $0x2800, $0x38;
	[tilespmem:$0x1CD00] =	vst v63  }
0xa0: {  	s5 =	sor.u32 $0x1, s1  }
.LBB2_8:
0xa1: {  	s1 =	smul.u32 $0x280, s5;
	_ =	sdelay $0x1  }
0xa2: {  	s1 =	sshra.s32 s1, $0x2  }
0xa3: {  	s1 =	sadd.s32 $0x1000, s1  }
0xa4: {  	[tilespmem:s14], [sflag:$0x2] =	stream.indirect.gather [hbm4b:s4+s29], $0x8, s1, s29, $0xb8;
	[tilespmem:$0x1CD00] =	vst v63  }
.LBB2_9:
0xa5: {  	p1 =	sgt.u32 s5, $0x28  }
.Ltmp8:
0xa6: {  	_ = 	snop;
	(pc) =	sbr.rel @p1 .LBB2_13-.Ltmp8, $1  }
0xa7: {  	_ =	sdelay $0x3  }
0xa8: {  	s1 =	simm.s32 $0x0  }
0xa9: {  	v2 =	vmov s1  }
0xaa: {  	v2 =	vshll.u32 v2, $0x3  }
0xab: {  	v2 =	vor.u32 v0, v2  }
0xac: {  	v2 =	vor.u32 v1, v2;
	_ =	sdelay $0x1  }
0xad: {  	_ =	swait.ge [sflag:s20], $0x500  }
0xae: {  	[sflag:s20] =	ssyncset.done $0x0  }
0xaf: {  	s11 =	simm.s32 $0x2;
	[sflag:s20] =	ssyncadd.s32 $0xFFFFFB00  }
0xb0: {  	v4 =	vld.idx.msk [tilespmem:v2+s21+$0x0], $0xffff;
	v2 =	vmov s11  }
0xb1: {  	v2 =	vshll.u32 v2, $0x3  }
0xb2: {  	v2 =	vor.u32 v0, v2  }
0xb3: {  	v2 =	vor.u32 v1, v2;
	_ =	sdelay $0x2  }
0xb4: {  	s5 =	simm.s32 $0x4;
	s1 =	simm.s32 $0x3300  }
0xb5: {  	v3 =	vmov s5;
	s5 =	simm.s32 $0x6;
	[tilespmem:s1+$0x0] =	vst v4  }
.LBB2_11:
0xb6: {  	p1 =	sne.s32 s5, $0x9E;
	v3 =	vshll.u32 v3, $0x3;
	v4 =	vld.idx.msk [tilespmem:v2+s21+$0x0], $0xffff  }
0xb7: {  	v2 =	vor.u32 v0, v3  }
.Ltmp9:
0xb8: {  	v2 =	vor.u32 v1, v2;
	(pc) =	sbr.rel @p1 .LBB2_11-.Ltmp9, $3  }
0xb9: {  	_ =	sdelay $0x1  }
0xba: {  	s1 =	sadd.s32 $0x10, s1  }
0xbb: {  	v3 =	vmov s5;
	s5 =	sadd.s32 $0x2, s5;
	[tilespmem:s1+$0x0] =	vst v4  }
0xbc: {  	_ =	sdelay $0x2  }
0xbd: {  	v3 =	vshll.u32 v3, $0x3  }
0xbe: {  	v2 =	vld.idx.msk [tilespmem:v2+s21+$0x0], $0xffff;
	v3 =	vor.u32 v0, v3  }
0xbf: {  	v3 =	vor.u32 v1, v3;
	_ =	sdelay $0x2  }
0xc0: {  	s1 =	sadd.s32 $0x10, s1  }
0xc1: {  	[tilespmem:s1+$0x0] =	vst v2  }
0xc2: {  	v2 =	vld.idx.msk [tilespmem:v3+s21+$0x0], $0xffff;
	_ =	sdelay $0x3  }
0xc3: {  	s1 =	sadd.s32 $0x10, s1  }
0xc4: {  	[tilespmem:s1+$0x0] =	vst v2  }
0xc5: {  	[tilespmem:s23], [sflag:$0x3] =	stream.indirect.gather [spmem:s2], $0x20, s22, s15, $0xb8;
	[tilespmem:$0x1CD00] =	vst v63  }
.LBB2_13:
0xc6: {  	p1 =	seq.s32 s31, $0x0  }
.Ltmp10:
0xc7: {  	_ = 	snop;
	(pc) =	sbr.rel @p1 .LBB2_17-.Ltmp10, $1  }
0xc8: {  	_ =	sdelay $0x3  }
0xc9: {  	_ =	swait.ge [sflag:s26], $0xA000  }
0xca: {  	p1 =	seq.s32 s31, $0x1;
	[sflag:s26] =	ssyncset.done $0x0  }
0xcb: {  	s1 =	simm.s32 @!p1 $0x6;
	[sflag:s26] =	ssyncadd.s32 $0xFFFF6000  }
0xcc: {  	_ =	swait.ge @!p1 [sflag:s1], $0x2800  }
0xcd: {  	[sflag:s1] =	ssyncset.done @!p1 $0x0  }
0xce: {  	[sflag:s1] =	ssyncadd.s32 @!p1 $0xFFFFD800;
	s1 =	simm.s32 $0xDD80  }
0xcf: {  	v2 =	vld [tilespmem:s1+$0xFFFFFF80]  }
0xd0: {  	v3 =	vld [tilespmem:s1+$0x60]  }
0xd1: {  	v4 =	vld [tilespmem:s1+$0x40]  }
0xd2: {  	v5 =	vld [tilespmem:s1+$0x20]  }
0xd3: {  	v6 =	vld [tilespmem:s1+$0x0]  }
0xd4: {  	v7 =	vld [tilespmem:s1+$0xFFFFFFE0]  }
0xd5: {  	v8 =	vld [tilespmem:s1+$0xFFFFFFC0]  }
0xd6: {  	v9 =	vld [tilespmem:s1+$0xFFFFFFA0];
	_ =	sdelay $0x3  }
0xd7: {  	v5 =	vadd.bf16 v5, v6;
	v6 =	vadd.bf16 v7, v8  }
0xd8: {  	v2 =	vadd.bf16 v9, v2;
	v3 =	vadd.bf16 v3, v4;
	_ =	sdelay $0x1  }
0xd9: {  	v2 =	vadd.bf16 v6, v2;
	v3 =	vadd.bf16 v3, v5;
	_ =	sdelay $0x1  }
0xda: {  	v2 =	vadd.bf16 v3, v2;
	_ =	sdelay $0x1  }
0xdb: {  	s6 =	simm.s32 $0x0;
	v3 =	vunpack.i.l.bf16.f32 v2  }
0xdc: {  	v2 =	vunpack.i.u.bf16.f32 v2;
	[tilespmem:s6+$0x1A500] =	vst v3  }
0xdd: {  	[tilespmem:s6+$0x1A510] =	vst v2  }
0xde: {  	v6 =	vld [tilespmem:s1+$0x70]  }
0xdf: {  	v5 =	vld [tilespmem:s1+$0xFFFFFFF0]  }
0xe0: {  	v8 =	vld [tilespmem:s1+$0xFFFFFFD0]  }
0xe1: {  	v63 =	vld [tilespmem:s1+$0x50]  }
0xe2: {  	v2 =	vld [tilespmem:s1+$0x30]  }
0xe3: {  	v3 =	vld [tilespmem:s1+$0xFFFFFF90]  }
0xe4: {  	v4 =	vld [tilespmem:s1+$0x10]  }
0xe5: {  	v7 =	vld [tilespmem:s1+$0xFFFFFFB0];
	_ =	sdelay $0x1  }
0xe6: {  	s5 =	simm.s32 $0x100;
	v5 =	vadd.bf16 v5, v8;
	v6 =	vadd.bf16 v6, v63  }
.LBB2_15:
0xe7: {  	p1 =	sne.s32 s5, $0x9F00  }
0xe8: {  	s1 =	sadd.s32 $0x100, s1;
	s9 =	smov.u32 s5;
	s5 =	sadd.s32 $0x100, s5  }
0xe9: {  	v2 =	vadd.bf16 v2, v4;
	v3 =	vadd.bf16 v7, v3;
	_ =	sdelay $0x1  }
0xea: {  	v2 =	vadd.bf16 v6, v2;
	v3 =	vadd.bf16 v5, v3;
	_ =	sdelay $0x1  }
0xeb: {  	v2 =	vadd.bf16 v2, v3;
	_ =	sdelay $0x1  }
0xec: {  	v3 =	vunpack.i.u.bf16.f32 v2;
	v2 =	vunpack.i.l.bf16.f32 v2  }
0xed: {  	[tilespmem:s6+$0x1A520] =	vst v2  }
0xee: {  	[tilespmem:s6+$0x1A530] =	vst v3  }
0xef: {  	v2 =	vld [tilespmem:s1+$0xFFFFFF80]  }
0xf0: {  	v3 =	vld [tilespmem:s1+$0x60]  }
0xf1: {  	v4 =	vld [tilespmem:s1+$0x40]  }
0xf2: {  	v5 =	vld [tilespmem:s1+$0x20]  }
0xf3: {  	v6 =	vld [tilespmem:s1+$0x0]  }
0xf4: {  	v7 =	vld [tilespmem:s1+$0xFFFFFFE0]  }
0xf5: {  	v8 =	vld [tilespmem:s1+$0xFFFFFFC0]  }
0xf6: {  	v9 =	vld [tilespmem:s1+$0xFFFFFFA0];
	_ =	sdelay $0x1  }
0xf7: {  	v5 =	vadd.bf16 v5, v6;
	_ =	sdelay $0x1  }
0xf8: {  	v6 =	vadd.bf16 v7, v8  }
0xf9: {  	v3 =	vadd.bf16 v3, v4;
	v2 =	vadd.bf16 v9, v2;
	_ =	sdelay $0x1  }
0xfa: {  	v3 =	vadd.bf16 v3, v5;
	v2 =	vadd.bf16 v6, v2;
	_ =	sdelay $0x1  }
0xfb: {  	v2 =	vadd.bf16 v3, v2;
	_ =	sdelay $0x1  }
0xfc: {  	s6 =	sshra.s32 s9, $0x2;
	v3 =	vunpack.i.u.bf16.f32 v2;
	v2 =	vunpack.i.l.bf16.f32 v2  }
0xfd: {  	[tilespmem:s6+$0x1A500] =	vst v2  }
0xfe: {  	[tilespmem:s6+$0x1A510] =	vst v3  }
0xff: {  	v6 =	vld [tilespmem:s1+$0x70]  }
0x100: {  	v5 =	vld [tilespmem:s1+$0xFFFFFFF0]  }
0x101: {  	v2 =	vld [tilespmem:s1+$0x30]  }
0x102: {  	v8 =	vld [tilespmem:s1+$0xFFFFFFD0]  }
0x103: {  	v3 =	vld [tilespmem:s1+$0xFFFFFF90]  }
0x104: {  	v9 =	vld [tilespmem:s1+$0x50]  }
.Ltmp11:
0x105: {  	v4 =	vld [tilespmem:s1+$0x10];
	(pc) =	sbr.rel @p1 .LBB2_15-.Ltmp11, $3  }
0x106: {  	v7 =	vld [tilespmem:s1+$0xFFFFFFB0];
	_ =	sdelay $0x1  }
0x107: {  	v5 =	vadd.bf16 v5, v8  }
0x108: {  	v6 =	vadd.bf16 v6, v9  }
0x109: {  	_ = 	snop  }
0x10a: {  	v2 =	vadd.bf16 v2, v4;
	v3 =	vadd.bf16 v7, v3;
	_ =	sdelay $0x1  }
0x10b: {  	v2 =	vadd.bf16 v6, v2;
	v3 =	vadd.bf16 v5, v3  }
0x10c: {  	s1 =	smul.u32 $0x140, s31  }
0x10d: {  	v2 =	vadd.bf16 v2, v3  }
.Ltmp12:
0x10e: {  	s1 =	sadd.s32 s1, s8;
	(pc) =	sbr.rel .LBB2_17-.Ltmp12, $4  }
0x10f: {  	s1 =	sshll.u32 s1, $0x3;
	v3 =	vunpack.i.l.bf16.f32 v2  }
0x110: {  	s1 =	sand.u32 $0x1FFFFF00, s1;
	v2 =	vunpack.i.u.bf16.f32 v2;
	[tilespmem:s6+$0x1A520] =	vst v3  }
0x111: {  	s1 =	sadd.s32 s0, s1;
	[tilespmem:s6+$0x1A530] =	vst v2  }
0x112: {  	[hbm4b:s1+s3] =	stream.linear.scatter [tilespmem:s28], [sflag:$0x6], $0x2800, $0x38;
	[tilespmem:$0x1CD00] =	vst v63  }
.LBB2_19:
0x113: {  	_ =	sfence.sel $0x180000  }
0x114: {  	[bflag:$0x0] =	sbarrier.arrive $0xFFFF  }
0x115: {  	_ =	strace $0x90000047  }
0x116: {  	[bflag:$0x2] =	sbarrier.arrive $0xFFFF  }
0x117: {  	s0 =	rddreg [dreg:$0x4]  }
0x118: {  	s0 =	sadd.s32 @!p0 $0x100000, s0  }
0x119: {  	[sflag:s0] =	ssyncadd.tile.s32 @!p0 $0x1;
	_ =	shalt  }
.Lfunc_end2:
_tile_overlayer_lowered:
.L_overlay_start_2:
0x11a: {  	(tag) =	ssettag $0x2  }
0x11b: {  	s0 =	rddreg [dreg:$0x0];
	s2 =	stileid.u32  }
0x11c: {  	s1 =	rddreg [dreg:$0x1];
	p0 =	sne.s32 s2, $0x0  }
0x11d: {  	s3 =	rddreg [dreg:$0x2];
	[bflag:$0x3] =	sbarrier.arrive $0xFFFF;
	s2 =	simm.s32 @!p0 $0x1C07  }
0x11e: {  	[timem:s3], [sflag:s2] =	dma.local @!p0 [hbm:s0], s1  }
0x11f: {  	s0 =	simm.s32 @!p0 $0x7  }
0x120: {  	_ =	swait.ge @!p0 [sflag:s0], s1  }
0x121: {  	s1 =	ssub.s32 @!p0 $0x0, s1;
	[sflag:s0] =	ssyncset.done @!p0 $0x0  }
0x122: {  	[sflag:s0] =	ssyncadd.s32 @!p0 s1  }
0x123: {  	[bflag:$0x3] =	sbarrier.arrive $0xFFFF  }
0x124: {  	_ =	shalt  }

// kernel: sparse-core-data-format-call.cloned.1.call-start
scs
called_computation_lowered:
.L_overlay_start_0:
0x0: {  	s2 =	sld [smem:$0x3FD9]  }
0x1: {  	s3 =	sld [smem:$0x3FFE];
	_ =	sdelay $0x1  }
0x2: {  	s1 =	srdreg.scid  }
0x3: {  	s0 =	sand.u32 $0x1, s1  }
0x4: {  	s18 =	sshll.u32 s0, $0xA;
	s2 =	sadd.s32 s3, s2  }
0x5: {  	s2 =	sadd.s32 s2, s18  }
0x6: {  	[smem:$0x3FC5] =	sst s2  }
0x7: {  	_ = 	snop  }
0x8: {  	s2 =	sld [smem:$0x3FD0];
	(tm) =	ssettm $0x1  }
0x9: {  	s19 =	sld [smem:$0x3FFB];
	_ =	sdelay $0x3  }
0xa: {  	_ =	strace s19  }
0xb: {  	s3 =	sld [smem:$0x3FFC];
	_ =	sdelay $0x3  }
0xc: {  	_ =	strace s3  }
0xd: {  	s3 =	sld [smem:$0x3FFD];
	_ =	sdelay $0x3  }
0xe: {  	_ =	strace s3  }
0xf: {  	_ =	strace $0x8FFFFFFF  }
0x10: {  	s20 =	sld [smem:$0x3FDB];
	_ =	sdelay $0x1  }
0x11: {  	s4 =	simm.s32 $_scs_section_size  }
0x12: {  	s5 =	simm.s32 $_size__tile_overlayer_lowered;
	s6 =	simm.s32 $_tile_overlayer_lowered  }
0x13: {  	s23 =	simm.s32 $0x1BFF;
	s22 =	sshll.u32 s6, $0x1;
	s3 =	sadd.s32 s4, s20  }
0x14: {  	s7 =	simm.s32 $0x0;
	s21 =	sshll.u32 s5, $0x1;
	s5 =	sadd.s32 s22, s3  }
0x15: {  	[timem:s7], [sflag:s23] =	dma.local [hbm:s5], s21  }
0x16: {  	_ =	swait.ge [sflag:s23], s21  }
0x17: {  	s4 =	ssub.s32 $0x0, s21;
	[sflag:s23] =	ssyncset.done $0x0  }
0x18: {  	[sflag:s23] =	ssyncadd.s32 s4;
	_ =	sdelay $0x1  }
0x19: {  	s24 =	simm.s32 $0x1B8B  }
0x1a: {  	_ =	swait.ge [sflag:s24], $0x1  }
0x1b: {  	[sflag:s24] =	ssyncset.done $0x0  }
0x1c: {  	s26 =	simm.s32 $0x1B8E;
	s25 =	sld [smem:$0x3FFE];
	[sflag:s24] =	ssyncadd.s32 $0xFFFFFFFF  }
0x1d: {  	s27 =	simm.s32 $execute0_lowered;
	[smem:$0x3FD2] =	sst s26  }
0x1e: {  	s5 =	sshll.u32 s27, $0x1;
	_ =	strace $0x80000049;
	[dreg:$0x1] =	wrdreg $0xFFFFFFFF  }
0x1f: {  	s28 =	simm.s32 $_size_execute0_lowered;
	s3 =	sadd.s32 s3, s5;
	[dreg:$0x0] =	wrdreg $0x0  }
0x20: {  	s5 =	sshll.u32 s28, $0x1;
	[dreg:$0x2] =	wrdreg s3  }
0x21: {  	[dreg:$0x3] =	wrdreg s5  }
0x22: {  	[dreg:$0x4] =	wrdreg $0xC0  }
0x23: {  	_ =	task [dreg:s7], $0x5FFFF  }
0x24: {  	[dreg:$0x1] =	wrdreg $0xFFFFFFFF  }
0x25: {  	[dreg:$0x0] =	wrdreg $0x60  }
0x26: {  	[dreg:$0x2] =	wrdreg s25  }
0x27: {  	[dreg:$0x3] =	wrdreg s2  }
0x28: {  	[dreg:$0x4] =	wrdreg $0x9  }
0x29: {  	_ =	task.clear_ibuf [dreg:s7], $0x5FFFF;
	_ =	strace $0x90000049  }
0x2a: {  	s29 =	simm.s32 $0x9;
	_ =	strace $0x8000004B  }
0x2b: {  	_ =	swait.ge [sflag:s29], $0x1  }
0x2c: {  	[sflag:s29] =	ssyncadd.s32 $0xFFFFFFFF  }
0x2d: {  	_ =	strace $0x9000004B  }
0x2e: {  	_ =	sfence  }
0x2f: {  	s30 =	sld [smem:$0x0];
	_ =	sdelay $0x2  }
0x30: {  	s31 =	sshll.u32 s1, $0xD;
	s1 =	sshrl.u32 s1, $0x2  }
0x31: {  	s3 =	sand.u32 $0x4000, s31;
	s1 =	sadd.s32 s1, s30  }
0x32: {  	s0 =	sor.u32 s3, s0;
	s1 =	sshll.u32 s1, $0x11  }
0x33: {  	s0 =	sor.u32 s1, s0  }
0x34: {  	s0 =	sadd.s32 $0x8F2B, s0  }
0x35: {  	[sflag:s0] =	ssyncadd.remote.s32 $0x1  }
0x36: {  	_ =	sfence.sel $0xFFFF  }
0x37: {  	[dreg:$0x0] =	wrdreg $0xFFFFFFFF;
	(pc) =	sbr.abs _section_cstart, $3  }
0x38: {  	[dreg:$0x1] =	wrdreg $0xFFFFFFFF  }
0x39: {  	_ =	task.clear_ibuf [dreg:s7], $0x2FFFF;
	_ =	strace $0x9FFFFFFF  }
0x3a: {  	(tm) =	ssettm $0x7FFFFFFF  }
0x3b: {  	_ =	shalt  }
tec
execute0_lowered:
.L_overlay_start_1:
0x0: {  	(tag) =	ssettag $0x1  }
0x1: {  	s0 =	srdreg.scid  }
0x2: {  	s1 =	sshll.u32 s0, $0x4  }
0x3: {  	s4 =	rddreg [dreg:$0x0];
	s0 =	stileid.u32;
	s1 =	sand.u32 $0x10, s1  }
0x4: {  	s2 =	rddreg [dreg:$0x1];
	s7 =	simm.s32 $0x1;
	s1 =	sor.u32 s0, s1  }
0x5: {  	s8 =	simm.s32 $0x2;
	s11 =	simm.s32 $0x0;
	s3 =	sshll.u32 s1, $0x7  }
0x6: {  	s10 =	simm.s32 $0x0;
	s4 =	sadd.s32 $0xA00, s4;
	s6 =	ssub.s32 $0x32000, s3  }
.Ltmp0:
0x7: {  	s1 =	rddreg [dreg:$0x2];
	s5 =	sand.u32 $0xF80, s6;
	(pc) =	sbr.rel .LBB1_1-.Ltmp0, $4  }
0x8: {  	_ =	strace $0x8000004A;
	s9 =	smov.u32 s3;
	p0 =	sne.s32 s5, $0x0  }
0x9: {  	s6 =	sshrl.u32 s6, $0xC;
	s5 =	simm.s32 $0x1;
	s7 =	simm.s32 @!p0 $0x0  }
0xa: {  	[sflag:s5] =	ssyncpa.u1 $0x0;
	p0 =	por $0x0, $0x0;
	s6 =	sadd.s32 s7, s6  }
0xb: {  	[sflag:s8] =	ssyncpa.u1 $0x0;
	s8 =	simm.s32 $0x190000;
	s7 =	sadd.s32 $0x1, s6  }
.LBB1_4:
0xc: {  	s14 =	sshll.u32 s11, $0x3  }
0xd: {  	s30 =	sand.u32 $0x7F, s11;
	s15 =	sand.u32 $0xFFFFFC00, s14  }
0xe: {  	s11 =	sor.u32 s30, s15  }
0xf: {  	s15 =	smulhi.u32 $0x51EB851F, s11  }
0x10: {  	s14 =	smulhi.u32 $0x51EB851F, s14  }
0x11: {  	s15 =	sshrl.u32 s15, $0x10  }
0x12: {  	s14 =	sshrl.u32 s14, $0x10;
	s15 =	smul.u32 $0x32000, s15  }
0x13: {  	s14 =	sand.u32 $0x3F, s14  }
0x14: {  	s14 =	smul.u32 $0x6400, s14;
	s11 =	ssub.s32 s11, s15  }
0x15: {  	[tilespmem:s13+$0x810 ss:$0x81] =	vst.msk $0xffff, v2;
	s15 =	sand.u32 $0x7, s11  }
0x16: {  	[tilespmem:s13+$0x1020 ss:$0x81] =	vst.msk $0xffff, v0;
	s14 =	sadd.s32 s2, s14;
	s11 =	sshrl.u32 s11, $0x3;
	s15 =	sshll.u32 s15, $0x12  }
0x17: {  	[tilespmem:s13+$0x0 ss:$0x81] =	vst.msk $0xffff, v1;
	s11 =	sadd.s32 s11, s14;
	s31 =	sor.u32 $0x400, s15  }
0x18: {  	[hbm4b:s11+s31] =	stream.strided.scatter [tilespmem:s12], [sflag:$0x2], $0x2000, s8, s31, $0x20;
	[tilespmem:$0x8080] =	vst v63  }
.LBB1_5:
0x19: {  	s13 =	sadd.s32 $0x1000, s9  }
0x1a: {  	p2 =	sgt.s32 s13, $0x31FFF  }
0x1b: {  	s13 =	smov.u32 @p2 s3;
	p2 =	sne.s32 s10, s7  }
.Ltmp1:
0x1c: {  	p1 =	slt.u32 s10, $0x2;
	(pc) =	sbr.rel @!p2 .LBB1_6-.Ltmp1, $4  }
0x1d: {  	s12 =	simm.s32 @!p1 $0x2  }
0x1e: {  	s14 =	sadd.s32 $0x1, s10;
	_ =	swait.ge @!p1 [sflag:s12], $0x2000  }
0x1f: {  	s11 =	smov.u32 s9;
	p0 =	por !p0, !p0;
	[sflag:s12] =	ssyncset.done @!p1 $0x0  }
0x20: {  	s10 =	smov.u32 s14;
	s9 =	smov.u32 s13;
	[sflag:s12] =	ssyncadd.s32 @!p1 $0xFFFFE000  }
.LBB1_1:
0x21: {  	p1 =	sge.u32 s10, s6  }
0x22: {  	s12 =	sand.u32 @!p1 $0x1FFFFFF, s9  }
0x23: {  	s13 =	smulhi.u32 @!p1 $0x147AE15, s12;
	_ =	sdelay $0x1  }
0x24: {  	s13 =	sshrl.u32 @!p1 s13, $0xA  }
0x25: {  	s13 =	smul.u32 @!p1 $0x32000, s13;
	_ =	sdelay $0x1  }
0x26: {  	s31 =	sadd.s32 $0xFFFFFFFF, s10;
	s14 =	sxor.u32 @!p1 $0xFFFFFFFF, s10;
	s12 =	ssub.s32 @!p1 s12, s13  }
0x27: {  	s15 =	simm.s32 @!p1 $0x80;
	s14 =	sshll.u32 @!p1 s14, $0xD;
	s12 =	sshll.u32 @!p1 s12, $0x4  }
0x28: {  	s13 =	sand.u32 @!p1 $0x2000, s14;
	s14 =	simm.s32 @!p1 $0x40;
	s12 =	sadd.s32 @!p1 s4, s12  }
0x29: {  	[tilespmem:s13], [sflag:$0x1] =	stream.strided.gather @!p1 [hbm4b:s12+s14], $0x2000, s15, s14, $0x38;
	[tilespmem:$0x8080] =	vst v63  }
0x2a: {  	p1 =	sge.u32 s31, s6  }
.Ltmp2:
0x2b: {  	_ = 	snop;
	(pc) =	sbr.rel @p1 .LBB1_5-.Ltmp2, $1  }
0x2c: {  	_ =	sdelay $0x3  }
0x2d: {  	s12 =	simm.s32 $0x1  }
0x2e: {  	_ =	swait.ge [sflag:s5], $0x2000;
	s12 =	simm.s32 @!p0 $0x0  }
0x2f: {  	[sflag:s5] =	ssyncset.done $0x0;
	s13 =	sshll.u32 s12, $0xD  }
0x30: {  	[sflag:s5] =	ssyncadd.s32 $0xFFFFE000;
	s16 =	sor.u32 $0x20, s13  }
0x31: {  	s12 =	smul.u32 $0x8100, s12;
	v3 =	vld [tilespmem:s16+$0x10]  }
0x32: {  	s30 =	sand.u32 $0x1, s10;
	v2 =	vld [tilespmem:s16+$0xFFFFFFF0]  }
0x33: {  	s13 =	smul.u32 $0x8100, s30;
	s12 =	sshrl.u32 s12, $0x2;
	v0 =	vld [tilespmem:s16+$0x0]  }
0x34: {  	v1 =	vld [tilespmem:s16+$0xFFFFFFE0];
	s14 =	sor.u32 $0x4000, s12  }
0x35: {  	s31 =	sshrl.u32 s13, $0x2;
	s13 =	sadd.s32 $0x0, s14  }
0x36: {  	s15 =	simm.s32 $0x4;
	s16 =	sadd.s32 $0x40, s16;
	s12 =	sor.u32 $0x4000, s31;
	[tilespmem:s13+$0x1830 ss:$0x81] =	vst.msk $0xffff, v3  }
.LBB1_3:
0x37: {  	v3 =	vld [tilespmem:s16+$0x10];
	p1 =	sne.s32 s15, $0x1FC;
	[tilespmem:s13+$0x810 ss:$0x81] =	vst.msk $0xffff, v2;
	s17 =	smov.u32 s15;
	s15 =	sadd.s32 $0x4, s15  }
.Ltmp3:
0x38: {  	v2 =	vld [tilespmem:s16+$0xFFFFFFF0];
	[tilespmem:s13+$0x1020 ss:$0x81] =	vst.msk $0xffff, v0;
	(pc) =	sbr.rel @p1 .LBB1_3-.Ltmp3, $4  }
0x39: {  	v0 =	vld [tilespmem:s16+$0x0];
	[tilespmem:s13+$0x0 ss:$0x81] =	vst.msk $0xffff, v1  }
0x3a: {  	s13 =	sshra.s32 s17, $0x2;
	v1 =	vld [tilespmem:s16+$0xFFFFFFE0]  }
0x3b: {  	s13 =	sadd.s32 s13, s14  }
0x3c: {  	s16 =	sadd.s32 $0x40, s16;
	[tilespmem:s13+$0x1830 ss:$0x81] =	vst.msk $0xffff, v3  }
.Ltmp4:
0x3d: {  	_ = 	snop;
	(pc) =	sbr.rel .LBB1_4-.Ltmp4, $1  }
0x3e: {  	_ =	sdelay $0x3  }
.LBB1_6:
0x3f: {  	_ =	sfence.sel $0x180000  }
0x40: {  	s2 =	simm.s32 $0x1;
	[bflag:$0x0] =	sbarrier.arrive $0xFFFF  }
0x41: {  	s31 =	simm.s32 $0x2;
	[sflag:s2] =	ssyncpa.u1 $0x1  }
0x42: {  	[sflag:s31] =	ssyncpa.u1 $0x1  }
0x43: {  	p0 =	sne.s32 s0, $0x0;
	_ =	strace $0x9000004A  }
0x44: {  	s0 =	sadd.s32 @!p0 $0x100000, s1;
	[bflag:$0x2] =	sbarrier.arrive $0xFFFF  }
0x45: {  	[sflag:s0] =	ssyncadd.tile.s32 @!p0 $0x1;
	_ =	shalt  }
.Lfunc_end1:
_tile_overlayer_lowered:
.L_overlay_start_2:
0x46: {  	(tag) =	ssettag $0x2  }
0x47: {  	s0 =	rddreg [dreg:$0x0];
	s2 =	stileid.u32  }
0x48: {  	s1 =	rddreg [dreg:$0x1];
	p0 =	sne.s32 s2, $0x0  }
0x49: {  	s3 =	rddreg [dreg:$0x2];
	[bflag:$0x3] =	sbarrier.arrive $0xFFFF;
	s2 =	simm.s32 @!p0 $0x1C01  }
0x4a: {  	[timem:s3], [sflag:s2] =	dma.local @!p0 [hbm:s0], s1  }
0x4b: {  	s0 =	simm.s32 @!p0 $0x1  }
0x4c: {  	_ =	swait.ge @!p0 [sflag:s0], s1  }
0x4d: {  	s1 =	ssub.s32 @!p0 $0x0, s1;
	[sflag:s0] =	ssyncset.done @!p0 $0x0  }
0x4e: {  	[sflag:s0] =	ssyncadd.s32 @!p0 s1  }
0x4f: {  	[bflag:$0x3] =	sbarrier.arrive $0xFFFF  }
0x50: {  	_ =	shalt  }

</sc_bundles>
